<compile_context>
chip_gen: v7x
topology: tpu7x:2x2x1
jax: 0.10.2.dev20260603
libtpu: 0.0.44.dev20260713+nightly
codegen_flags: <defaults>
</compile_context>

<pallas_src>
import functools

import jax
import jax.numpy as jnp
from jax import lax
from jax.experimental import pallas as pl
from jax.experimental.pallas import tpu as pltpu
from jax.experimental.pallas import tpu_sc as plsc

N = 5000
NP = 5120
B = 1024
NB = NP // B
NBPAD = -(-NB // 8) * 8
CONF_THRE = 0.1
NMS_THRE = 0.45
_BITS_01 = 0x3DCCCCCD


def _sc_perm_kernel(direction):
    info = plsc.get_sparse_core_info()
    nw = info.num_cores * info.num_subcores
    bpw = NP // nw
    mesh = plsc.VectorSubcoreMesh(core_axis_name="c", subcore_axis_name="s")

    def body(rows_hbm, idx_hbm, out_hbm, idx_v, rows_v, sem):
        wid = lax.axis_index("s") * info.num_cores + lax.axis_index("c")
        base = wid * bpw
        pltpu.sync_copy(idx_hbm.at[pl.ds(base, bpw)], idx_v)
        if direction == "gather":
            pltpu.async_copy(rows_hbm.at[idx_v], rows_v, sem).wait()
            pltpu.sync_copy(rows_v, out_hbm.at[pl.ds(base, bpw)])
        else:
            pltpu.sync_copy(rows_hbm.at[pl.ds(base, bpw)], rows_v)
            pltpu.async_copy(rows_v, out_hbm.at[idx_v], sem).wait()

    return pl.kernel(
        body,
        mesh=mesh,
        out_type=jax.ShapeDtypeStruct((NP, 16), jnp.float32),
        scratch_types=[
            pltpu.VMEM((bpw,), jnp.int32),
            pltpu.VMEM((bpw, 16), jnp.float32),
            pltpu.SemaphoreType.DMA,
        ],
        compiler_params=pltpu.CompilerParams(use_tc_tiling_on_sc=False),
    )


def _sc_gather(table, idx):
    return _sc_perm_kernel("gather")(table, idx)


def _sc_scatter(rows, idx):
    return _sc_perm_kernel("scatter")(rows, idx)


def _dotrow(v, m):
    return jax.lax.dot_general(
        v, m, (((1,), (0,)), ((), ())), preferred_element_type=jnp.float32)


def _nms_body(cls_mm_ref, tri_ref, ts_ref, tt_ref, vblk_ref, dead_ref, sdets_ref):
    t = pl.program_id(0)
    kr = tri_ref[0, t]
    kc = tri_ref[1, t]

    @pl.when(t == 0)
    def _init():
        dead_ref[...] = 1.0 - vblk_ref[...]

    def mk_m():
        rx1 = ts_ref[:, 0:1]
        ry1 = ts_ref[:, 1:2]
        rx2 = ts_ref[:, 2:3]
        ry2 = ts_ref[:, 3:4]
        rcl = ts_ref[:, 5:6]
        cx1 = tt_ref[0:1, :]
        cy1 = tt_ref[1:2, :]
        cx2 = tt_ref[2:3, :]
        cy2 = tt_ref[3:4, :]
        ccl = tt_ref[5:6, :]
        w = jnp.maximum(jnp.minimum(rx2, cx2) - jnp.maximum(rx1, cx1), 0.0)
        h = jnp.maximum(jnp.minimum(ry2, cy2) - jnp.maximum(ry1, cy1), 0.0)
        inter = w * h
        ra = (rx2 - rx1) * (ry2 - ry1)
        ca = (cx2 - cx1) * (cy2 - cy1)
        union = ra + ca - inter
        return jnp.where((inter > NMS_THRE * union) & (rcl == ccl), 1.0, 0.0)

    act = (cls_mm_ref[1, kr] >= cls_mm_ref[0, kc]) & (
        cls_mm_ref[0, kr] <= cls_mm_ref[1, kc])

    @pl.when(kc == kr)
    def _intra():
        m = mk_m()
        sub = jax.lax.broadcasted_iota(jnp.int32, (B, B), 0)
        lane = jax.lax.broadcasted_iota(jnp.int32, (B, B), 1)
        mm = jnp.where(lane > sub, m, 0.0)
        dead0 = dead_ref[pl.ds(kr, 1), :]

        def cond(c):
            dd, da = c
            return jnp.sum((1.0 - dd) * (1.0 - da)) > 0.0

        def body(c):
            dd, da = c
            pot = _dotrow(1.0 - dd, mm)
            killed = _dotrow(da, mm)
            dd2 = jnp.maximum(dd, jnp.where(killed > 0.0, 1.0, 0.0))
            da2 = jnp.maximum(
                da, jnp.where((pot == 0.0) & (dd2 == 0.0), 1.0, 0.0))
            return (dd2, da2)

        dd, da = jax.lax.while_loop(cond, body, (dead0, jnp.zeros_like(dead0)))
        dead_ref[pl.ds(kr, 1), :] = dd
        eye = jnp.where(lane == sub, 1.0, 0.0)
        aliveT = jnp.sum(eye * da, axis=1, keepdims=True)
        sdets_ref[...] = ts_ref[...] * aliveT

    @pl.when((kc > kr) & act)
    def _cross():
        m = mk_m()
        alive = 1.0 - dead_ref[pl.ds(kr, 1), :]
        contrib = _dotrow(alive, m)
        cur = dead_ref[pl.ds(kc, 1), :]
        dead_ref[pl.ds(kc, 1), :] = jnp.maximum(
            cur, jnp.where(contrib > 0.0, 1.0, 0.0))


_NT = NB * (NB + 1) // 2
_TRI = [(r, c) for r in range(NB) for c in range(r, NB)]


def _nms_dead(cls_mm, table_sorted, tt, vblk, interpret=False):
    tri = jnp.array(
        [[r for r, _ in _TRI], [c for _, c in _TRI]], dtype=jnp.int32)
    grid_spec = pltpu.PrefetchScalarGridSpec(
        num_scalar_prefetch=2,
        grid=(_NT,),
        in_specs=[
            pl.BlockSpec((B, 16), lambda t, s, tr: (tr[0, t], 0)),
            pl.BlockSpec((16, B), lambda t, s, tr: (0, tr[1, t])),
            pl.BlockSpec((NBPAD, B), lambda t, s, tr: (0, 0)),
        ],
        out_specs=[
            pl.BlockSpec((NBPAD, B), lambda t, s, tr: (0, 0)),
            pl.BlockSpec((B, 16), lambda t, s, tr: (tr[0, t], 0)),
        ],
        scratch_shapes=[],
    )
    return pl.pallas_call(
        _nms_body,
        grid_spec=grid_spec,
        out_shape=[
            jax.ShapeDtypeStruct((NBPAD, B), jnp.float32),
            jax.ShapeDtypeStruct((NP, 16), jnp.float32),
        ],
        compiler_params=pltpu.CompilerParams(
            dimension_semantics=("arbitrary",),
        ),
        interpret=interpret,
    )(cls_mm, tri, table_sorted, tt, vblk)


def kernel(boxes, obj_conf, class_conf, class_ids):
    scores = obj_conf * class_conf
    valid = scores >= CONF_THRE
    sbits = jax.lax.bitcast_convert_type(scores, jnp.int32)
    skey = jnp.where(valid, sbits - (_BITS_01 - 1), 0)
    key = class_ids * (1 << 25) + ((1 << 25) - skey)
    order = jnp.argsort(key).astype(jnp.int32)
    ordp = jnp.concatenate([order, jnp.arange(N, NP, dtype=jnp.int32)])

    table = jnp.zeros((NP, 16), jnp.float32)
    feat = jnp.concatenate(
        [
            boxes,
            scores[:, None],
            class_ids.astype(jnp.float32)[:, None],
            valid.astype(jnp.float32)[:, None],
            jnp.ones((N, 1), jnp.float32),
        ],
        axis=1,
    )
    table = table.at[:N, :8].set(feat)

    ts = _sc_gather(table, ordp)
    tt = ts.T
    vs = ts[:, 6]
    vblk = jnp.zeros((NBPAD, B), jnp.float32).at[:NB, :].set(vs.reshape(NB, B))

    real = ts[:, 7] > 0.0
    cls_i = ts[:, 5].astype(jnp.int32)
    cls_lo = jnp.where(real, cls_i, 10**6).reshape(NB, B)
    cls_hi = jnp.where(real, cls_i, -1).reshape(NB, B)
    cls_mm = jnp.stack([jnp.min(cls_lo, axis=1), jnp.max(cls_hi, axis=1)])

    _, sdets = _nms_dead(cls_mm, ts, tt, vblk)
    out = _sc_scatter(sdets, ordp)
    return out[:N, :6]

# --- scband reference (transcript-rebuilt; emitter-appended) ---
"""Pipeline reference for scband-pseudo-labeler-48378511622659 (READ-ONLY COPY).

The authoritative reference and input builder live on the scoring server;
editing this copy changes nothing except your own understanding.
"""

import jax, jax.numpy as jnp
import numpy as np

CONF_THRE = 0.1
NMS_THRE = 0.45
NUM_CLASSES = 8
N = 5000


def setup_inputs(seed: int = 0) -> dict:
    key = jax.random.key(seed)
    k1, k2, k3, k4, k5 = jax.random.split(key, 5)
    # well-formed xyxy boxes: x1<x2, y1<y2, coordinates in a ~1120px frame
    xy = jax.random.uniform(k1, (N, 2), dtype=jnp.float32) * 1024.0
    wh = jax.random.uniform(k2, (N, 2), dtype=jnp.float32) * 96.0 + 4.0
    boxes = jnp.concatenate([xy, xy + wh], axis=1).astype(jnp.float32)
    obj_conf = jax.random.uniform(k3, (N,), dtype=jnp.float32)
    class_conf = jax.random.uniform(k4, (N,), dtype=jnp.float32)
    class_ids = jax.random.randint(k5, (N,), 0, NUM_CLASSES, dtype=jnp.int32)
    return {"boxes": boxes, "obj_conf": obj_conf, "class_conf": class_conf, "class_ids": class_ids}


def _pairwise_iou(b):
    area = (b[:, 2] - b[:, 0]) * (b[:, 3] - b[:, 1])
    lt = jnp.maximum(b[:, None, :2], b[None, :, :2])
    rb = jnp.minimum(b[:, None, 2:], b[None, :, 2:])
    wh = jnp.clip(rb - lt, 0.0)
    inter = wh[..., 0] * wh[..., 1]
    union = area[:, None] + area[None, :] - inter
    return inter / jnp.maximum(union, 1e-9)


def reference(boxes, obj_conf, class_conf, class_ids):
    # tta_postprocess core: conf filter -> per-class (batched) NMS -> detections
    n = boxes.shape[0]
    scores = obj_conf * class_conf
    valid = scores >= CONF_THRE
    # batched_nms trick: offset boxes per class so cross-class IoU ~ 0
    max_coord = jnp.max(boxes) + 1.0
    offs = class_ids.astype(boxes.dtype) * max_coord
    boxes_off = boxes + offs[:, None]
    neg_scores = jnp.where(valid, scores, -1.0)
    order = jnp.argsort(-neg_scores)
    b_sorted = boxes_off[order]
    iou = _pairwise_iou(b_sorted)  # [N, N] pairwise IoU, compute-dominant
    idx = jnp.arange(n)
    init_sup = jnp.logical_not(valid[order])

    def body(sup, i):
        active = jnp.logical_not(sup[i])
        new = sup | (active & (iou[i] > NMS_THRE) & (idx > i))
        return new, None

    sup, _ = jax.lax.scan(body, init_sup, jnp.arange(n))
    keep_sorted = jnp.logical_not(sup)
    keep = jnp.zeros(n, dtype=bool).at[order].set(keep_sorted)
    dets = jnp.concatenate([boxes, scores[:, None], class_ids.astype(boxes.dtype)[:, None]], axis=1)
    return dets * keep[:, None].astype(dets.dtype)

if __name__ == "__main__":
    import jax
    _d = setup_inputs()
    print(jax.jit(kernel)(*tuple(_d.values())))

</pallas_src>

<mosaic_0001>
#map = affine_map<(d0, d1) -> (0, 0)>
#map1 = affine_map<(d0, d1) -> (0)>
module attributes {stable_mosaic.version = 14 : i64} {
  func.func @body(%arg0: i32, %arg1: i32, %arg2: memref<5120x16xf32, #tpu.memory_space<hbm>>, %arg3: memref<5120xi32, #tpu.memory_space<hbm>>, %arg4: memref<5120x16xf32, #tpu.memory_space<hbm>>, %arg5: memref<160xi32, #tpu.memory_space<vmem>>, %arg6: memref<160x16xf32, #tpu.memory_space<vmem>>, %arg7: memref<!tpu.dma_semaphore, #tpu.memory_space<semaphore_mem>>) attributes {dimension_semantics = [#tpu.dimension_semantics<core_parallel>, #tpu.dimension_semantics<subcore_parallel>], iteration_bounds = array<i64: 2, 16>, scalar_prefetch = 0 : i64, scratch_operands = 3 : i64, tpu.core_type = #tpu.core_type<sc_vector_subcore>, window_params = [{transform_indices = #map}, {transform_indices = #map1}, {transform_indices = #map}]} {
    %mul3A = arith.constant 2 : i32
    %mul3A_0 = arith.muli %arg1, %mul3A : i32
    %add3A = arith.addi %mul3A_0, %arg0 : i32
    %mul3A_1 = arith.constant 160 : i32
    %mul3A_2 = arith.muli %add3A, %mul3A_1 : i32
    "tpu.region"() ({
      %run_scoped3A = tpu.sem_alloc : memref<!tpu.dma_semaphore, #tpu.memory_space<semaphore_mem>>
      %dma_start3A_7 = tpu.memref_slice %arg3[%mul3A_2] : memref<5120xi32, #tpu.memory_space<hbm>> -> memref<160xi32, #tpu.memory_space<hbm>>
      %dma_start3A_8 = tpu.memref_slice %arg3[%mul3A_2] : memref<5120xi32, #tpu.memory_space<hbm>> -> memref<160xi32, #tpu.memory_space<hbm>>
      tpu.enqueue_dma source(%dma_start3A_8 : memref<160xi32, #tpu.memory_space<hbm>>) target(%arg5 : memref<160xi32, #tpu.memory_space<vmem>>) target_semaphore(%run_scoped3A : memref<!tpu.dma_semaphore, #tpu.memory_space<semaphore_mem>>)
      %dma_wait3A_9 = tpu.memref_slice %arg3[%mul3A_2] : memref<5120xi32, #tpu.memory_space<hbm>> -> memref<160xi32, #tpu.memory_space<hbm>>
      %dma_wait3A_10 = tpu.memref_slice %arg3[%mul3A_2] : memref<5120xi32, #tpu.memory_space<hbm>> -> memref<160xi32, #tpu.memory_space<hbm>>
      tpu.wait_dma2 semaphore(%run_scoped3A : memref<!tpu.dma_semaphore, #tpu.memory_space<semaphore_mem>>) src(%dma_wait3A_10 : memref<160xi32, #tpu.memory_space<hbm>>) dst(%arg5 : memref<160xi32, #tpu.memory_space<vmem>>)
      tpu.yield
    }) : () -> ()
    %dma_start3A = arith.constant 0 : i32
    %dma_start3A_3 = arith.constant 0 : i32
    %dma_start3A_4 = tpu.memref_slice %arg2[%dma_start3A, %dma_start3A_3] : memref<5120x16xf32, #tpu.memory_space<hbm>> -> memref<5120x16xf32, #tpu.memory_space<hbm>>
    tpu.enqueue_indirect_dma source(%dma_start3A_4 : memref<5120x16xf32, #tpu.memory_space<hbm>>) target(%arg6 : memref<160x16xf32, #tpu.memory_space<vmem>>) offsets(%arg5 : memref<160xi32, #tpu.memory_space<vmem>>) semaphore(%arg7 : memref<!tpu.dma_semaphore, #tpu.memory_space<semaphore_mem>>)
    %dma_wait3A = arith.constant 0 : i32
    %dma_wait3A_5 = arith.constant 0 : i32
    %dma_wait3A_6 = tpu.memref_slice %arg2[%dma_wait3A, %dma_wait3A_5] : memref<5120x16xf32, #tpu.memory_space<hbm>> -> memref<5120x16xf32, #tpu.memory_space<hbm>>
    tpu.wait_indirect_dma semaphore(%arg7 : memref<!tpu.dma_semaphore, #tpu.memory_space<semaphore_mem>>) src(%dma_wait3A_6 : memref<5120x16xf32, #tpu.memory_space<hbm>>) dst(%arg6 : memref<160x16xf32, #tpu.memory_space<vmem>>)
    "tpu.region"() ({
      %run_scoped3A = tpu.sem_alloc : memref<!tpu.dma_semaphore, #tpu.memory_space<semaphore_mem>>
      %dma_start3A_7 = arith.constant 0 : i32
      %dma_start3A_8 = tpu.memref_slice %arg4[%mul3A_2, %dma_start3A_7] : memref<5120x16xf32, #tpu.memory_space<hbm>> -> memref<160x16xf32, #tpu.memory_space<hbm>>
      %dma_start3A_9 = arith.constant 0 : i32
      %dma_start3A_10 = tpu.memref_slice %arg4[%mul3A_2, %dma_start3A_9] : memref<5120x16xf32, #tpu.memory_space<hbm>> -> memref<160x16xf32, #tpu.memory_space<hbm>>
      tpu.enqueue_dma source(%arg6 : memref<160x16xf32, #tpu.memory_space<vmem>>) target(%dma_start3A_10 : memref<160x16xf32, #tpu.memory_space<hbm>>) target_semaphore(%run_scoped3A : memref<!tpu.dma_semaphore, #tpu.memory_space<semaphore_mem>>)
      %dma_wait3A_11 = arith.constant 0 : i32
      %dma_wait3A_12 = tpu.memref_slice %arg4[%mul3A_2, %dma_wait3A_11] : memref<5120x16xf32, #tpu.memory_space<hbm>> -> memref<160x16xf32, #tpu.memory_space<hbm>>
      %dma_wait3A_13 = arith.constant 0 : i32
      %dma_wait3A_14 = tpu.memref_slice %arg4[%mul3A_2, %dma_wait3A_13] : memref<5120x16xf32, #tpu.memory_space<hbm>> -> memref<160x16xf32, #tpu.memory_space<hbm>>
      tpu.wait_dma2 semaphore(%run_scoped3A : memref<!tpu.dma_semaphore, #tpu.memory_space<semaphore_mem>>) src(%arg6 : memref<160x16xf32, #tpu.memory_space<vmem>>) dst(%dma_wait3A_14 : memref<160x16xf32, #tpu.memory_space<hbm>>)
      tpu.yield
    }) : () -> ()
    return
  }
}

#map = affine_map<(d0, d1) -> (0, 0)>
#map1 = affine_map<(d0, d1) -> (0)>
module attributes {stable_mosaic.version = 14 : i64} {
  func.func @body(%arg0: i32, %arg1: i32, %arg2: memref<5120x16xf32, #tpu.memory_space<hbm>>, %arg3: memref<5120xi32, #tpu.memory_space<hbm>>, %arg4: memref<5120x16xf32, #tpu.memory_space<hbm>>, %arg5: memref<160xi32, #tpu.memory_space<vmem>>, %arg6: memref<160x16xf32, #tpu.memory_space<vmem>>, %arg7: memref<!tpu.dma_semaphore, #tpu.memory_space<semaphore_mem>>) attributes {dimension_semantics = [#tpu.dimension_semantics<core_parallel>, #tpu.dimension_semantics<subcore_parallel>], iteration_bounds = array<i64: 2, 16>, scalar_prefetch = 0 : i64, scratch_operands = 3 : i64, tpu.core_type = #tpu.core_type<sc_vector_subcore>, window_params = [{transform_indices = #map}, {transform_indices = #map1}, {transform_indices = #map}]} {
    %mul3A = arith.constant 2 : i32
    %mul3A_0 = arith.muli %arg1, %mul3A : i32
    %add3A = arith.addi %mul3A_0, %arg0 : i32
    %mul3A_1 = arith.constant 160 : i32
    %mul3A_2 = arith.muli %add3A, %mul3A_1 : i32
    "tpu.region"() ({
      %run_scoped3A = tpu.sem_alloc : memref<!tpu.dma_semaphore, #tpu.memory_space<semaphore_mem>>
      %dma_start3A_7 = tpu.memref_slice %arg3[%mul3A_2] : memref<5120xi32, #tpu.memory_space<hbm>> -> memref<160xi32, #tpu.memory_space<hbm>>
      %dma_start3A_8 = tpu.memref_slice %arg3[%mul3A_2] : memref<5120xi32, #tpu.memory_space<hbm>> -> memref<160xi32, #tpu.memory_space<hbm>>
      tpu.enqueue_dma source(%dma_start3A_8 : memref<160xi32, #tpu.memory_space<hbm>>) target(%arg5 : memref<160xi32, #tpu.memory_space<vmem>>) target_semaphore(%run_scoped3A : memref<!tpu.dma_semaphore, #tpu.memory_space<semaphore_mem>>)
      %dma_wait3A_9 = tpu.memref_slice %arg3[%mul3A_2] : memref<5120xi32, #tpu.memory_space<hbm>> -> memref<160xi32, #tpu.memory_space<hbm>>
      %dma_wait3A_10 = tpu.memref_slice %arg3[%mul3A_2] : memref<5120xi32, #tpu.memory_space<hbm>> -> memref<160xi32, #tpu.memory_space<hbm>>
      tpu.wait_dma2 semaphore(%run_scoped3A : memref<!tpu.dma_semaphore, #tpu.memory_space<semaphore_mem>>) src(%dma_wait3A_10 : memref<160xi32, #tpu.memory_space<hbm>>) dst(%arg5 : memref<160xi32, #tpu.memory_space<vmem>>)
      tpu.yield
    }) : () -> ()
    "tpu.region"() ({
      %run_scoped3A = tpu.sem_alloc : memref<!tpu.dma_semaphore, #tpu.memory_space<semaphore_mem>>
      %dma_start3A_7 = arith.constant 0 : i32
      %dma_start3A_8 = tpu.memref_slice %arg2[%mul3A_2, %dma_start3A_7] : memref<5120x16xf32, #tpu.memory_space<hbm>> -> memref<160x16xf32, #tpu.memory_space<hbm>>
      %dma_start3A_9 = arith.constant 0 : i32
      %dma_start3A_10 = tpu.memref_slice %arg2[%mul3A_2, %dma_start3A_9] : memref<5120x16xf32, #tpu.memory_space<hbm>> -> memref<160x16xf32, #tpu.memory_space<hbm>>
      tpu.enqueue_dma source(%dma_start3A_10 : memref<160x16xf32, #tpu.memory_space<hbm>>) target(%arg6 : memref<160x16xf32, #tpu.memory_space<vmem>>) target_semaphore(%run_scoped3A : memref<!tpu.dma_semaphore, #tpu.memory_space<semaphore_mem>>)
      %dma_wait3A_11 = arith.constant 0 : i32
      %dma_wait3A_12 = tpu.memref_slice %arg2[%mul3A_2, %dma_wait3A_11] : memref<5120x16xf32, #tpu.memory_space<hbm>> -> memref<160x16xf32, #tpu.memory_space<hbm>>
      %dma_wait3A_13 = arith.constant 0 : i32
      %dma_wait3A_14 = tpu.memref_slice %arg2[%mul3A_2, %dma_wait3A_13] : memref<5120x16xf32, #tpu.memory_space<hbm>> -> memref<160x16xf32, #tpu.memory_space<hbm>>
      tpu.wait_dma2 semaphore(%run_scoped3A : memref<!tpu.dma_semaphore, #tpu.memory_space<semaphore_mem>>) src(%dma_wait3A_14 : memref<160x16xf32, #tpu.memory_space<hbm>>) dst(%arg6 : memref<160x16xf32, #tpu.memory_space<vmem>>)
      tpu.yield
    }) : () -> ()
    %dma_start3A = arith.constant 0 : i32
    %dma_start3A_3 = arith.constant 0 : i32
    %dma_start3A_4 = tpu.memref_slice %arg4[%dma_start3A, %dma_start3A_3] : memref<5120x16xf32, #tpu.memory_space<hbm>> -> memref<5120x16xf32, #tpu.memory_space<hbm>>
    tpu.enqueue_indirect_dma source(%arg6 : memref<160x16xf32, #tpu.memory_space<vmem>>) target(%dma_start3A_4 : memref<5120x16xf32, #tpu.memory_space<hbm>>) offsets(%arg5 : memref<160xi32, #tpu.memory_space<vmem>>) semaphore(%arg7 : memref<!tpu.dma_semaphore, #tpu.memory_space<semaphore_mem>>)
    %dma_wait3A = arith.constant 0 : i32
    %dma_wait3A_5 = arith.constant 0 : i32
    %dma_wait3A_6 = tpu.memref_slice %arg4[%dma_wait3A, %dma_wait3A_5] : memref<5120x16xf32, #tpu.memory_space<hbm>> -> memref<5120x16xf32, #tpu.memory_space<hbm>>
    tpu.wait_indirect_dma semaphore(%arg7 : memref<!tpu.dma_semaphore, #tpu.memory_space<semaphore_mem>>) src(%arg6 : memref<160x16xf32, #tpu.memory_space<vmem>>) dst(%dma_wait3A_6 : memref<5120x16xf32, #tpu.memory_space<hbm>>)
    return
  }
}

module attributes {stable_mosaic.version = 14 : i64} {
  func.func @_nms_body(%arg0: i32, %arg1: memref<2x5xi32, #tpu.memory_space<smem>>, %arg2: memref<2x15xi32, #tpu.memory_space<smem>>, %arg3: memref<1024x16xf32, #tpu.memory_space<vmem>>, %arg4: memref<16x1024xf32, #tpu.memory_space<vmem>>, %arg5: memref<8x1024xf32, #tpu.memory_space<vmem>>, %arg6: memref<8x1024xf32, #tpu.memory_space<vmem>>, %arg7: memref<1024x16xf32, #tpu.memory_space<vmem>>) attributes {dimension_semantics = [#tpu.dimension_semantics<arbitrary>], iteration_bounds = array<i64: 15>, scalar_prefetch = 2 : i64, scratch_operands = 0 : i64, tpu.core_type = #tpu.core_type<tc>, window_params = [{transform_indices = @transform_0, window_bounds = array<i64: 1024, 16>}, {transform_indices = @transform_1, window_bounds = array<i64: 16, 1024>}, {pipeline_mode = #tpu.pipeline_mode<synchronous>, transform_indices = @transform_2, window_bounds = array<i64: 8, 1024>}, {pipeline_mode = #tpu.pipeline_mode<synchronous>, transform_indices = @transform_3, window_bounds = array<i64: 8, 1024>}, {transform_indices = @transform_4, window_bounds = array<i64: 1024, 16>}]} {
    %get3A = arith.constant 0 : index
    %get3A_0 = arith.index_cast %arg0 : i32 to index
    %get3A_1 = memref.load %arg2[%get3A, %get3A_0] : memref<2x15xi32, #tpu.memory_space<smem>>
    %get3A_2 = arith.constant 1 : index
    %get3A_3 = arith.index_cast %arg0 : i32 to index
    %get3A_4 = memref.load %arg2[%get3A_2, %get3A_3] : memref<2x15xi32, #tpu.memory_space<smem>>
    %eq3A = arith.constant 0 : i32
    %eq3A_5 = arith.cmpi eq, %arg0, %eq3A : i32
    %convert_element_type3A = arith.extui %eq3A_5 : i1 to i32
    %cond3A = arith.constant 0 : i32
    %cond3A_6 = arith.cmpi ne, %convert_element_type3A, %cond3A : i32
    scf.if %cond3A_6 {
      %get3A_27 = arith.constant 0 : index
      %get3A_28 = arith.constant 0 : index
      %get3A_29 = vector.load %arg5[%get3A_27, %get3A_28] : memref<8x1024xf32, #tpu.memory_space<vmem>>, vector<8x1024xf32>
      %sub3A = arith.constant 1.000000e+00 : f32
      %sub3A_30 = vector.broadcast %sub3A : f32 to vector<8x1024xf32>
      %sub3A_31 = arith.subf %sub3A_30, %get3A_29 : vector<8x1024xf32>
      %swap3A = arith.constant 0 : index
      %swap3A_32 = arith.constant 0 : index
      %swap3A_33 = vector.load %arg6[%swap3A, %swap3A_32] : memref<8x1024xf32, #tpu.memory_space<vmem>>, vector<8x1024xf32>
      tpu.vector_store %arg6[%swap3A, %swap3A_32], %sub3A_31 {strides = array<i32>} : memref<8x1024xf32, #tpu.memory_space<vmem>>, vector<8x1024xf32>,
    } else {
    }
    %get3A_7 = arith.constant 1 : index
    %get3A_8 = arith.index_cast %get3A_1 : i32 to index
    %get3A_9 = memref.load %arg1[%get3A_7, %get3A_8] : memref<2x5xi32, #tpu.memory_space<smem>>
    %get3A_10 = arith.constant 0 : index
    %get3A_11 = arith.index_cast %get3A_4 : i32 to index
    %get3A_12 = memref.load %arg1[%get3A_10, %get3A_11] : memref<2x5xi32, #tpu.memory_space<smem>>
    %ge3A = arith.cmpi sge, %get3A_9, %get3A_12 : i32
    %get3A_13 = arith.constant 0 : index
    %get3A_14 = arith.index_cast %get3A_1 : i32 to index
    %get3A_15 = memref.load %arg1[%get3A_13, %get3A_14] : memref<2x5xi32, #tpu.memory_space<smem>>
    %get3A_16 = arith.constant 1 : index
    %get3A_17 = arith.index_cast %get3A_4 : i32 to index
    %get3A_18 = memref.load %arg1[%get3A_16, %get3A_17] : memref<2x5xi32, #tpu.memory_space<smem>>
    %le3A = arith.cmpi sle, %get3A_15, %get3A_18 : i32
    %and3A = arith.andi %ge3A, %le3A : i1
    %eq3A_19 = arith.cmpi eq, %get3A_4, %get3A_1 : i32
    %convert_element_type3A_20 = arith.extui %eq3A_19 : i1 to i32
    %cond3A_21 = arith.constant 0 : i32
    %cond3A_22 = arith.cmpi ne, %convert_element_type3A_20, %cond3A_21 : i32
    scf.if %cond3A_22 {
      %get3A_27 = arith.constant 0 : index
      %get3A_28 = arith.constant 0 : index
      %get3A_29 = vector.load %arg3[%get3A_27, %get3A_28] : memref<1024x16xf32, #tpu.memory_space<vmem>>, vector<1024x1xf32>
      %get3A_30 = arith.constant 0 : index
      %get3A_31 = arith.constant 1 : index
      %get3A_32 = vector.load %arg3[%get3A_30, %get3A_31] : memref<1024x16xf32, #tpu.memory_space<vmem>>, vector<1024x1xf32>
      %get3A_33 = arith.constant 0 : index
      %get3A_34 = arith.constant 2 : index
      %get3A_35 = vector.load %arg3[%get3A_33, %get3A_34] : memref<1024x16xf32, #tpu.memory_space<vmem>>, vector<1024x1xf32>
      %get3A_36 = arith.constant 0 : index
      %get3A_37 = arith.constant 3 : index
      %get3A_38 = vector.load %arg3[%get3A_36, %get3A_37] : memref<1024x16xf32, #tpu.memory_space<vmem>>, vector<1024x1xf32>
      %get3A_39 = arith.constant 0 : index
      %get3A_40 = arith.constant 5 : index
      %get3A_41 = vector.load %arg3[%get3A_39, %get3A_40] : memref<1024x16xf32, #tpu.memory_space<vmem>>, vector<1024x1xf32>
      %get3A_42 = arith.constant 0 : index
      %get3A_43 = arith.constant 0 : index
      %get3A_44 = vector.load %arg4[%get3A_42, %get3A_43] : memref<16x1024xf32, #tpu.memory_space<vmem>>, vector<1x1024xf32>
      %get3A_45 = arith.constant 1 : index
      %get3A_46 = arith.constant 0 : index
      %get3A_47 = vector.load %arg4[%get3A_45, %get3A_46] : memref<16x1024xf32, #tpu.memory_space<vmem>>, vector<1x1024xf32>
      %get3A_48 = arith.constant 2 : index
      %get3A_49 = arith.constant 0 : index
      %get3A_50 = vector.load %arg4[%get3A_48, %get3A_49] : memref<16x1024xf32, #tpu.memory_space<vmem>>, vector<1x1024xf32>
      %get3A_51 = arith.constant 3 : index
      %get3A_52 = arith.constant 0 : index
      %get3A_53 = vector.load %arg4[%get3A_51, %get3A_52] : memref<16x1024xf32, #tpu.memory_space<vmem>>, vector<1x1024xf32>
      %get3A_54 = arith.constant 5 : index
      %get3A_55 = arith.constant 0 : index
      %get3A_56 = vector.load %arg4[%get3A_54, %get3A_55] : memref<16x1024xf32, #tpu.memory_space<vmem>>, vector<1x1024xf32>
      %min3A = vector.broadcast %get3A_35 : vector<1024x1xf32> to vector<1024x1024xf32>
      %min3A_57 = vector.broadcast %get3A_50 : vector<1x1024xf32> to vector<1024x1024xf32>
      %min3A_58 = arith.minimumf %min3A, %min3A_57 : vector<1024x1024xf32>
      %max3A = vector.broadcast %get3A_29 : vector<1024x1xf32> to vector<1024x1024xf32>
      %max3A_59 = vector.broadcast %get3A_44 : vector<1x1024xf32> to vector<1024x1024xf32>
      %max3A_60 = arith.maximumf %max3A, %max3A_59 : vector<1024x1024xf32>
      %sub3A = arith.subf %min3A_58, %max3A_60 : vector<1024x1024xf32>
      %max3A_61 = arith.constant 0.000000e+00 : f32
      %max3A_62 = vector.broadcast %max3A_61 : f32 to vector<1024x1024xf32>
      %max3A_63 = arith.maximumf %sub3A, %max3A_62 : vector<1024x1024xf32>
      %min3A_64 = vector.broadcast %get3A_38 : vector<1024x1xf32> to vector<1024x1024xf32>
      %min3A_65 = vector.broadcast %get3A_53 : vector<1x1024xf32> to vector<1024x1024xf32>
      %min3A_66 = arith.minimumf %min3A_64, %min3A_65 : vector<1024x1024xf32>
      %max3A_67 = vector.broadcast %get3A_32 : vector<1024x1xf32> to vector<1024x1024xf32>
      %max3A_68 = vector.broadcast %get3A_47 : vector<1x1024xf32> to vector<1024x1024xf32>
      %max3A_69 = arith.maximumf %max3A_67, %max3A_68 : vector<1024x1024xf32>
      %sub3A_70 = arith.subf %min3A_66, %max3A_69 : vector<1024x1024xf32>
      %max3A_71 = arith.constant 0.000000e+00 : f32
      %max3A_72 = vector.broadcast %max3A_71 : f32 to vector<1024x1024xf32>
      %max3A_73 = arith.maximumf %sub3A_70, %max3A_72 : vector<1024x1024xf32>
      %mul3A = arith.mulf %max3A_63, %max3A_73 : vector<1024x1024xf32>
      %sub3A_74 = arith.subf %get3A_35, %get3A_29 : vector<1024x1xf32>
      %sub3A_75 = arith.subf %get3A_38, %get3A_32 : vector<1024x1xf32>
      %mul3A_76 = arith.mulf %sub3A_74, %sub3A_75 : vector<1024x1xf32>
      %sub3A_77 = arith.subf %get3A_50, %get3A_44 : vector<1x1024xf32>
      %sub3A_78 = arith.subf %get3A_53, %get3A_47 : vector<1x1024xf32>
      %mul3A_79 = arith.mulf %sub3A_77, %sub3A_78 : vector<1x1024xf32>
      %add3A = vector.broadcast %mul3A_76 : vector<1024x1xf32> to vector<1024x1024xf32>
      %add3A_80 = vector.broadcast %mul3A_79 : vector<1x1024xf32> to vector<1024x1024xf32>
      %add3A_81 = arith.addf %add3A, %add3A_80 : vector<1024x1024xf32>
      %sub3A_82 = arith.subf %add3A_81, %mul3A : vector<1024x1024xf32>
      %mul3A_83 = arith.constant 4.500000e-01 : f32
      %mul3A_84 = vector.broadcast %mul3A_83 : f32 to vector<1024x1024xf32>
      %mul3A_85 = arith.mulf %mul3A_84, %sub3A_82 : vector<1024x1024xf32>
      %gt3A_86 = arith.cmpf ogt, %mul3A, %mul3A_85 : vector<1024x1024xf32>
      %eq3A_87 = vector.broadcast %get3A_41 : vector<1024x1xf32> to vector<1024x1024xf32>
      %eq3A_88 = vector.broadcast %get3A_56 : vector<1x1024xf32> to vector<1024x1024xf32>
      %eq3A_89 = arith.cmpf oeq, %eq3A_87, %eq3A_88 : vector<1024x1024xf32>
      %and3A_90 = arith.andi %gt3A_86, %eq3A_89 : vector<1024x1024xi1>
      %jit3A = arith.constant 1.000000e+00 : f32
      %jit3A_91 = arith.constant 0.000000e+00 : f32
      %broadcast_in_dim3A = vector.broadcast %jit3A : f32 to vector<1024x1024xf32>
      %broadcast_in_dim3A_92 = vector.broadcast %jit3A_91 : f32 to vector<1024x1024xf32>
      %select_n3A = arith.select %and3A_90, %broadcast_in_dim3A, %broadcast_in_dim3A_92 : vector<1024x1024xi1>, vector<1024x1024xf32>
      %iota3A = tpu.iota {dimensions = array<i32: 0>} : vector<1024x1024xi32>
      %iota3A_93 = tpu.iota {dimensions = array<i32: 1>} : vector<1024x1024xi32>
      %gt3A_94 = arith.cmpi sgt, %iota3A_93, %iota3A : vector<1024x1024xi32>
      %jit3A_95 = arith.constant 0.000000e+00 : f32
      %broadcast_in_dim3A_96 = vector.broadcast %jit3A_95 : f32 to vector<1024x1024xf32>
      %select_n3A_97 = arith.select %gt3A_94, %select_n3A, %broadcast_in_dim3A_96 : vector<1024x1024xi1>, vector<1024x1024xf32>
      %get3A_98 = arith.index_cast %get3A_1 : i32 to index
      %get3A_99 = arith.constant 0 : index
      %get3A_100 = vector.load %arg6[%get3A_98, %get3A_99] : memref<8x1024xf32, #tpu.memory_space<vmem>>, vector<1x1024xf32>
      %broadcast_in_dim3A_101 = arith.constant 0.000000e+00 : f32
      %broadcast_in_dim3A_102 = vector.broadcast %broadcast_in_dim3A_101 : f32 to vector<1x1024xf32>
      %while3A:2 = scf.while (%while3A_123 = %get3A_100, %while3A_124 = %broadcast_in_dim3A_102) : (vector<1x1024xf32>, vector<1x1024xf32>) -> (vector<1x1024xf32>, vector<1x1024xf32>) {
        %sub3A_125 = arith.constant 1.000000e+00 : f32
        %sub3A_126 = vector.broadcast %sub3A_125 : f32 to vector<1x1024xf32>
        %sub3A_127 = arith.subf %sub3A_126, %while3A_123 : vector<1x1024xf32>
        %sub3A_128 = arith.constant 1.000000e+00 : f32
        %sub3A_129 = vector.broadcast %sub3A_128 : f32 to vector<1x1024xf32>
        %sub3A_130 = arith.subf %sub3A_129, %while3A_124 : vector<1x1024xf32>
        %mul3A_131 = arith.mulf %sub3A_127, %sub3A_130 : vector<1x1024xf32>
        %reduce_sum3A_132 = vector.shape_cast %mul3A_131 : vector<1x1024xf32> to vector<1x1x1024xf32>
        %reduce_sum3A_133 = arith.constant dense<0.000000e+00> : vector<1xf32>
        %reduce_sum3A_134 = vector.multi_reduction <add>, %reduce_sum3A_132, %reduce_sum3A_133 [1, 2] : vector<1x1x1024xf32> to vector<1xf32>
        %reduce_sum3A_135 = vector.shape_cast %reduce_sum3A_134 : vector<1xf32> to vector<1x1x1xf32>
        %reduce_sum3A_136 = vector.extract %reduce_sum3A_135[0, 0, 0] : f32 from vector<1x1x1xf32>
        %gt3A_137 = arith.constant 0.000000e+00 : f32
        %gt3A_138 = arith.cmpf ogt, %reduce_sum3A_136, %gt3A_137 : f32
        scf.condition(%gt3A_138) %while3A_123, %while3A_124 : vector<1x1024xf32>, vector<1x1024xf32>
      } do {
      ^bb0(%while3A_123: vector<1x1024xf32>, %while3A_124: vector<1x1024xf32>):
        %sub3A_125 = arith.constant 1.000000e+00 : f32
        %sub3A_126 = vector.broadcast %sub3A_125 : f32 to vector<1x1024xf32>
        %sub3A_127 = arith.subf %sub3A_126, %while3A_123 : vector<1x1024xf32>
        %dot_general3A = arith.constant dense<0.000000e+00> : vector<1x1024xf32>
        %dot_general3A_128 = tpu.matmul %sub3A_127, %select_n3A_97, %dot_general3A {dimension_numbers = #tpu.dot_dimension_numbers<[1], [0], [0], [1], [0, 0, 1, 1], [], []>, transpose_lhs_hint = false} : vector<1x1024xf32>, vector<1024x1024xf32>, vector<1x1024xf32> -> vector<1x1024xf32>
        %dot_general3A_129 = arith.constant dense<0.000000e+00> : vector<1x1024xf32>
        %dot_general3A_130 = tpu.matmul %while3A_124, %select_n3A_97, %dot_general3A_129 {dimension_numbers = #tpu.dot_dimension_numbers<[1], [0], [0], [1], [0, 0, 1, 1], [], []>, transpose_lhs_hint = false} : vector<1x1024xf32>, vector<1024x1024xf32>, vector<1x1024xf32> -> vector<1x1024xf32>
        %gt3A_131 = arith.constant 0.000000e+00 : f32
        %gt3A_132 = vector.broadcast %gt3A_131 : f32 to vector<1x1024xf32>
        %gt3A_133 = arith.cmpf ogt, %dot_general3A_130, %gt3A_132 : vector<1x1024xf32>
        %jit3A_134 = arith.constant 1.000000e+00 : f32
        %jit3A_135 = arith.constant 0.000000e+00 : f32
        %broadcast_in_dim3A_136 = vector.broadcast %jit3A_134 : f32 to vector<1x1024xf32>
        %broadcast_in_dim3A_137 = vector.broadcast %jit3A_135 : f32 to vector<1x1024xf32>
        %select_n3A_138 = arith.select %gt3A_133, %broadcast_in_dim3A_136, %broadcast_in_dim3A_137 : vector<1x1024xi1>, vector<1x1024xf32>
        %max3A_139 = arith.maximumf %while3A_123, %select_n3A_138 : vector<1x1024xf32>
        %eq3A_140 = arith.constant 0.000000e+00 : f32
        %eq3A_141 = vector.broadcast %eq3A_140 : f32 to vector<1x1024xf32>
        %eq3A_142 = arith.cmpf oeq, %dot_general3A_128, %eq3A_141 : vector<1x1024xf32>
        %eq3A_143 = arith.constant 0.000000e+00 : f32
        %eq3A_144 = vector.broadcast %eq3A_143 : f32 to vector<1x1024xf32>
        %eq3A_145 = arith.cmpf oeq, %max3A_139, %eq3A_144 : vector<1x1024xf32>
        %and3A_146 = arith.andi %eq3A_142, %eq3A_145 : vector<1x1024xi1>
        %jit3A_147 = arith.constant 1.000000e+00 : f32
        %jit3A_148 = arith.constant 0.000000e+00 : f32
        %broadcast_in_dim3A_149 = vector.broadcast %jit3A_147 : f32 to vector<1x1024xf32>
        %broadcast_in_dim3A_150 = vector.broadcast %jit3A_148 : f32 to vector<1x1024xf32>
        %select_n3A_151 = arith.select %and3A_146, %broadcast_in_dim3A_149, %broadcast_in_dim3A_150 : vector<1x1024xi1>, vector<1x1024xf32>
        %max3A_152 = arith.maximumf %while3A_124, %select_n3A_151 : vector<1x1024xf32>
        scf.yield %max3A_139, %max3A_152 : vector<1x1024xf32>, vector<1x1024xf32>
      }
      %swap3A = arith.index_cast %get3A_1 : i32 to index
      %swap3A_103 = arith.constant 0 : index
      %swap3A_104 = vector.load %arg6[%swap3A, %swap3A_103] : memref<8x1024xf32, #tpu.memory_space<vmem>>, vector<1x1024xf32>
      tpu.vector_store %arg6[%swap3A, %swap3A_103], %while3A#0 {strides = array<i32>} : memref<8x1024xf32, #tpu.memory_space<vmem>>, vector<1x1024xf32>,
      %eq3A_105 = arith.cmpi eq, %iota3A_93, %iota3A : vector<1024x1024xi32>
      %jit3A_106 = arith.constant 1.000000e+00 : f32
      %jit3A_107 = arith.constant 0.000000e+00 : f32
      %broadcast_in_dim3A_108 = vector.broadcast %jit3A_106 : f32 to vector<1024x1024xf32>
      %broadcast_in_dim3A_109 = vector.broadcast %jit3A_107 : f32 to vector<1024x1024xf32>
      %select_n3A_110 = arith.select %eq3A_105, %broadcast_in_dim3A_108, %broadcast_in_dim3A_109 : vector<1024x1024xi1>, vector<1024x1024xf32>
      %mul3A_111 = vector.broadcast %while3A#1 : vector<1x1024xf32> to vector<1024x1024xf32>
      %mul3A_112 = arith.mulf %select_n3A_110, %mul3A_111 : vector<1024x1024xf32>
      %reduce_sum3A = arith.constant dense<0.000000e+00> : vector<1024xf32>
      %reduce_sum3A_113 = vector.multi_reduction <add>, %mul3A_112, %reduce_sum3A [1] : vector<1024x1024xf32> to vector<1024xf32>
      %broadcast_in_dim3A_114 = vector.shape_cast %reduce_sum3A_113 : vector<1024xf32> to vector<1024x1xf32>
      %get3A_115 = arith.constant 0 : index
      %get3A_116 = arith.constant 0 : index
      %get3A_117 = vector.load %arg3[%get3A_115, %get3A_116] : memref<1024x16xf32, #tpu.memory_space<vmem>>, vector<1024x16xf32>
      %mul3A_118 = vector.broadcast %broadcast_in_dim3A_114 : vector<1024x1xf32> to vector<1024x16xf32>
      %mul3A_119 = arith.mulf %get3A_117, %mul3A_118 : vector<1024x16xf32>
      %swap3A_120 = arith.constant 0 : index
      %swap3A_121 = arith.constant 0 : index
      %swap3A_122 = vector.load %arg7[%swap3A_120, %swap3A_121] : memref<1024x16xf32, #tpu.memory_space<vmem>>, vector<1024x16xf32>
      tpu.vector_store %arg7[%swap3A_120, %swap3A_121], %mul3A_119 {strides = array<i32>} : memref<1024x16xf32, #tpu.memory_space<vmem>>, vector<1024x16xf32>,
    } else {
    }
    %gt3A = arith.cmpi sgt, %get3A_4, %get3A_1 : i32
    %and3A_23 = arith.andi %gt3A, %and3A : i1
    %convert_element_type3A_24 = arith.extui %and3A_23 : i1 to i32
    %cond3A_25 = arith.constant 0 : i32
    %cond3A_26 = arith.cmpi ne, %convert_element_type3A_24, %cond3A_25 : i32
    scf.if %cond3A_26 {
      %get3A_27 = arith.constant 0 : index
      %get3A_28 = arith.constant 0 : index
      %get3A_29 = vector.load %arg3[%get3A_27, %get3A_28] : memref<1024x16xf32, #tpu.memory_space<vmem>>, vector<1024x1xf32>
      %get3A_30 = arith.constant 0 : index
      %get3A_31 = arith.constant 1 : index
      %get3A_32 = vector.load %arg3[%get3A_30, %get3A_31] : memref<1024x16xf32, #tpu.memory_space<vmem>>, vector<1024x1xf32>
      %get3A_33 = arith.constant 0 : index
      %get3A_34 = arith.constant 2 : index
      %get3A_35 = vector.load %arg3[%get3A_33, %get3A_34] : memref<1024x16xf32, #tpu.memory_space<vmem>>, vector<1024x1xf32>
      %get3A_36 = arith.constant 0 : index
      %get3A_37 = arith.constant 3 : index
      %get3A_38 = vector.load %arg3[%get3A_36, %get3A_37] : memref<1024x16xf32, #tpu.memory_space<vmem>>, vector<1024x1xf32>
      %get3A_39 = arith.constant 0 : index
      %get3A_40 = arith.constant 5 : index
      %get3A_41 = vector.load %arg3[%get3A_39, %get3A_40] : memref<1024x16xf32, #tpu.memory_space<vmem>>, vector<1024x1xf32>
      %get3A_42 = arith.constant 0 : index
      %get3A_43 = arith.constant 0 : index
      %get3A_44 = vector.load %arg4[%get3A_42, %get3A_43] : memref<16x1024xf32, #tpu.memory_space<vmem>>, vector<1x1024xf32>
      %get3A_45 = arith.constant 1 : index
      %get3A_46 = arith.constant 0 : index
      %get3A_47 = vector.load %arg4[%get3A_45, %get3A_46] : memref<16x1024xf32, #tpu.memory_space<vmem>>, vector<1x1024xf32>
      %get3A_48 = arith.constant 2 : index
      %get3A_49 = arith.constant 0 : index
      %get3A_50 = vector.load %arg4[%get3A_48, %get3A_49] : memref<16x1024xf32, #tpu.memory_space<vmem>>, vector<1x1024xf32>
      %get3A_51 = arith.constant 3 : index
      %get3A_52 = arith.constant 0 : index
      %get3A_53 = vector.load %arg4[%get3A_51, %get3A_52] : memref<16x1024xf32, #tpu.memory_space<vmem>>, vector<1x1024xf32>
      %get3A_54 = arith.constant 5 : index
      %get3A_55 = arith.constant 0 : index
      %get3A_56 = vector.load %arg4[%get3A_54, %get3A_55] : memref<16x1024xf32, #tpu.memory_space<vmem>>, vector<1x1024xf32>
      %min3A = vector.broadcast %get3A_35 : vector<1024x1xf32> to vector<1024x1024xf32>
      %min3A_57 = vector.broadcast %get3A_50 : vector<1x1024xf32> to vector<1024x1024xf32>
      %min3A_58 = arith.minimumf %min3A, %min3A_57 : vector<1024x1024xf32>
      %max3A = vector.broadcast %get3A_29 : vector<1024x1xf32> to vector<1024x1024xf32>
      %max3A_59 = vector.broadcast %get3A_44 : vector<1x1024xf32> to vector<1024x1024xf32>
      %max3A_60 = arith.maximumf %max3A, %max3A_59 : vector<1024x1024xf32>
      %sub3A = arith.subf %min3A_58, %max3A_60 : vector<1024x1024xf32>
      %max3A_61 = arith.constant 0.000000e+00 : f32
      %max3A_62 = vector.broadcast %max3A_61 : f32 to vector<1024x1024xf32>
      %max3A_63 = arith.maximumf %sub3A, %max3A_62 : vector<1024x1024xf32>
      %min3A_64 = vector.broadcast %get3A_38 : vector<1024x1xf32> to vector<1024x1024xf32>
      %min3A_65 = vector.broadcast %get3A_53 : vector<1x1024xf32> to vector<1024x1024xf32>
      %min3A_66 = arith.minimumf %min3A_64, %min3A_65 : vector<1024x1024xf32>
      %max3A_67 = vector.broadcast %get3A_32 : vector<1024x1xf32> to vector<1024x1024xf32>
      %max3A_68 = vector.broadcast %get3A_47 : vector<1x1024xf32> to vector<1024x1024xf32>
      %max3A_69 = arith.maximumf %max3A_67, %max3A_68 : vector<1024x1024xf32>
      %sub3A_70 = arith.subf %min3A_66, %max3A_69 : vector<1024x1024xf32>
      %max3A_71 = arith.constant 0.000000e+00 : f32
      %max3A_72 = vector.broadcast %max3A_71 : f32 to vector<1024x1024xf32>
      %max3A_73 = arith.maximumf %sub3A_70, %max3A_72 : vector<1024x1024xf32>
      %mul3A = arith.mulf %max3A_63, %max3A_73 : vector<1024x1024xf32>
      %sub3A_74 = arith.subf %get3A_35, %get3A_29 : vector<1024x1xf32>
      %sub3A_75 = arith.subf %get3A_38, %get3A_32 : vector<1024x1xf32>
      %mul3A_76 = arith.mulf %sub3A_74, %sub3A_75 : vector<1024x1xf32>
      %sub3A_77 = arith.subf %get3A_50, %get3A_44 : vector<1x1024xf32>
      %sub3A_78 = arith.subf %get3A_53, %get3A_47 : vector<1x1024xf32>
      %mul3A_79 = arith.mulf %sub3A_77, %sub3A_78 : vector<1x1024xf32>
      %add3A = vector.broadcast %mul3A_76 : vector<1024x1xf32> to vector<1024x1024xf32>
      %add3A_80 = vector.broadcast %mul3A_79 : vector<1x1024xf32> to vector<1024x1024xf32>
      %add3A_81 = arith.addf %add3A, %add3A_80 : vector<1024x1024xf32>
      %sub3A_82 = arith.subf %add3A_81, %mul3A : vector<1024x1024xf32>
      %mul3A_83 = arith.constant 4.500000e-01 : f32
      %mul3A_84 = vector.broadcast %mul3A_83 : f32 to vector<1024x1024xf32>
      %mul3A_85 = arith.mulf %mul3A_84, %sub3A_82 : vector<1024x1024xf32>
      %gt3A_86 = arith.cmpf ogt, %mul3A, %mul3A_85 : vector<1024x1024xf32>
      %eq3A_87 = vector.broadcast %get3A_41 : vector<1024x1xf32> to vector<1024x1024xf32>
      %eq3A_88 = vector.broadcast %get3A_56 : vector<1x1024xf32> to vector<1024x1024xf32>
      %eq3A_89 = arith.cmpf oeq, %eq3A_87, %eq3A_88 : vector<1024x1024xf32>
      %and3A_90 = arith.andi %gt3A_86, %eq3A_89 : vector<1024x1024xi1>
      %jit3A = arith.constant 1.000000e+00 : f32
      %jit3A_91 = arith.constant 0.000000e+00 : f32
      %broadcast_in_dim3A = vector.broadcast %jit3A : f32 to vector<1024x1024xf32>
      %broadcast_in_dim3A_92 = vector.broadcast %jit3A_91 : f32 to vector<1024x1024xf32>
      %select_n3A = arith.select %and3A_90, %broadcast_in_dim3A, %broadcast_in_dim3A_92 : vector<1024x1024xi1>, vector<1024x1024xf32>
      %get3A_93 = arith.index_cast %get3A_1 : i32 to index
      %get3A_94 = arith.constant 0 : index
      %get3A_95 = vector.load %arg6[%get3A_93, %get3A_94] : memref<8x1024xf32, #tpu.memory_space<vmem>>, vector<1x1024xf32>
      %sub3A_96 = arith.constant 1.000000e+00 : f32
      %sub3A_97 = vector.broadcast %sub3A_96 : f32 to vector<1x1024xf32>
      %sub3A_98 = arith.subf %sub3A_97, %get3A_95 : vector<1x1024xf32>
      %dot_general3A = arith.constant dense<0.000000e+00> : vector<1x1024xf32>
      %dot_general3A_99 = tpu.matmul %sub3A_98, %select_n3A, %dot_general3A {dimension_numbers = #tpu.dot_dimension_numbers<[1], [0], [0], [1], [0, 0, 1, 1], [], []>, transpose_lhs_hint = false} : vector<1x1024xf32>, vector<1024x1024xf32>, vector<1x1024xf32> -> vector<1x1024xf32>
      %get3A_100 = arith.index_cast %get3A_4 : i32 to index
      %get3A_101 = arith.constant 0 : index
      %get3A_102 = vector.load %arg6[%get3A_100, %get3A_101] : memref<8x1024xf32, #tpu.memory_space<vmem>>, vector<1x1024xf32>
      %gt3A_103 = arith.constant 0.000000e+00 : f32
      %gt3A_104 = vector.broadcast %gt3A_103 : f32 to vector<1x1024xf32>
      %gt3A_105 = arith.cmpf ogt, %dot_general3A_99, %gt3A_104 : vector<1x1024xf32>
      %jit3A_106 = arith.constant 1.000000e+00 : f32
      %jit3A_107 = arith.constant 0.000000e+00 : f32
      %broadcast_in_dim3A_108 = vector.broadcast %jit3A_106 : f32 to vector<1x1024xf32>
      %broadcast_in_dim3A_109 = vector.broadcast %jit3A_107 : f32 to vector<1x1024xf32>
      %select_n3A_110 = arith.select %gt3A_105, %broadcast_in_dim3A_108, %broadcast_in_dim3A_109 : vector<1x1024xi1>, vector<1x1024xf32>
      %max3A_111 = arith.maximumf %get3A_102, %select_n3A_110 : vector<1x1024xf32>
      %swap3A = arith.index_cast %get3A_4 : i32 to index
      %swap3A_112 = arith.constant 0 : index
      %swap3A_113 = vector.load %arg6[%swap3A, %swap3A_112] : memref<8x1024xf32, #tpu.memory_space<vmem>>, vector<1x1024xf32>
      tpu.vector_store %arg6[%swap3A, %swap3A_112], %max3A_111 {strides = array<i32>} : memref<8x1024xf32, #tpu.memory_space<vmem>>, vector<1x1024xf32>,
    } else {
    }
    return
  }
  func.func @transform_0(%arg0: i32, %arg1: memref<2x5xi32, #tpu.memory_space<smem>>, %arg2: memref<2x15xi32, #tpu.memory_space<smem>>) -> (i32, i32) {
    %get3A = arith.constant 0 : index
    %get3A_0 = arith.index_cast %arg0 : i32 to index
    %get3A_1 = memref.load %arg2[%get3A, %get3A_0] : memref<2x15xi32, #tpu.memory_space<smem>>
    %c0_i32 = arith.constant 0 : i32
    %c0_i32_2 = arith.constant 0 : i32
    return %get3A_1, %c0_i32 : i32, i32
  }
  func.func @transform_1(%arg0: i32, %arg1: memref<2x5xi32, #tpu.memory_space<smem>>, %arg2: memref<2x15xi32, #tpu.memory_space<smem>>) -> (i32, i32) {
    %get3A = arith.constant 1 : index
    %get3A_0 = arith.index_cast %arg0 : i32 to index
    %get3A_1 = memref.load %arg2[%get3A, %get3A_0] : memref<2x15xi32, #tpu.memory_space<smem>>
    %c0_i32 = arith.constant 0 : i32
    %c0_i32_2 = arith.constant 0 : i32
    return %c0_i32, %get3A_1 : i32, i32
  }
  func.func @transform_2(%arg0: i32, %arg1: memref<2x5xi32, #tpu.memory_space<smem>>, %arg2: memref<2x15xi32, #tpu.memory_space<smem>>) -> (i32, i32) {
    %c0_i32 = arith.constant 0 : i32
    %c0_i32_0 = arith.constant 0 : i32
    %c0_i32_1 = arith.constant 0 : i32
    return %c0_i32, %c0_i32_0 : i32, i32
  }
  func.func @transform_3(%arg0: i32, %arg1: memref<2x5xi32, #tpu.memory_space<smem>>, %arg2: memref<2x15xi32, #tpu.memory_space<smem>>) -> (i32, i32) {
    %c0_i32 = arith.constant 0 : i32
    %c0_i32_0 = arith.constant 0 : i32
    %c0_i32_1 = arith.constant 0 : i32
    return %c0_i32, %c0_i32_0 : i32, i32
  }
  func.func @transform_4(%arg0: i32, %arg1: memref<2x5xi32, #tpu.memory_space<smem>>, %arg2: memref<2x15xi32, #tpu.memory_space<smem>>) -> (i32, i32) {
    %get3A = arith.constant 0 : index
    %get3A_0 = arith.index_cast %arg0 : i32 to index
    %get3A_1 = memref.load %arg2[%get3A, %get3A_0] : memref<2x15xi32, #tpu.memory_space<smem>>
    %c0_i32 = arith.constant 0 : i32
    %c0_i32_2 = arith.constant 0 : i32
    return %get3A_1, %c0_i32 : i32, i32
  }
}

</mosaic_0001>

<sc_bundles>
// kernel: kernel.5.cloned.1.call-start
scs
__scs_entry_jumppad:
0x0: {  	(pc) =	sbr.rel $0x88, $3  }
0x1: {  	(tag) =	ssettag $0x0;
	lr =	simm.s32 $0x1  }
0x2: {  	[smem:$0x3F9D] =	sst lr;
	_ =	strace $0xD0000000  }
0x3: {  	_ = 	snop  }
0x4: {  	_ = 	snop  }
0x5: {  	_ = 	snop  }
0x6: {  	_ = 	snop  }
0x7: {  	_ = 	snop  }
__scs_overlays_trampoline_lowered:
0x8: {  	[smem:$0x3FAC] =	sst s0  }
0x9: {  	[smem:$0x3FAD] =	sst s1  }
0xa: {  	[smem:$0x3FAE] =	sst s2  }
0xb: {  	[smem:$0x3FAF] =	sst s3  }
0xc: {  	[smem:$0x3FB0] =	sst s4  }
0xd: {  	[smem:$0x3FB1] =	sst s5  }
0xe: {  	[smem:$0x3FB2] =	sst s6  }
0xf: {  	[smem:$0x3FB3] =	sst s7  }
0x10: {  	[smem:$0x3FB4] =	sst s8  }
0x11: {  	[smem:$0x3FB5] =	sst s9;
	s0 =	simm.s32 @!p0 $0x0  }
0x12: {  	s1 =	sld [smem:$0x3F9B];
	s0 =	simm.s32 @p0 $0x1  }
0x13: {  	[smem:$0x3FB6] =	sst s0;
	s0 =	simm.s32 @!p1 $0x0  }
0x14: {  	s2 =	sld [smem:$0x3F9A];
	s0 =	simm.s32 @p1 $0x1  }
0x15: {  	[smem:$0x3FB7] =	sst s0;
	s0 =	simm.s32 @!p2 $0x0  }
0x16: {  	s3 =	sld [smem:$0x3FDB];
	s0 =	simm.s32 @p2 $0x1  }
0x17: {  	s4 =	simm.s32 $0x1BF5;
	[smem:$0x3FB9] =	sst s0  }
0x18: {  	s0 =	sld [smem:$0x3F9C];
	_ =	swait.ge [sflag:s4], $0x0  }
0x19: {  	s7 =	sld [smem:$0x3F9D]  }
0x1a: {  	s8 =	sadd.s32 $0xFFFFE003, lr  }
0x1b: {  	s9 =	sadd.s32 $0xFFFFFEF7, lr;
	s5 =	simm.s32 $0xFFFFFFFF;
	p2 =	slt.u32 s8, $0xFFFFF086  }
0x1c: {  	p1 =	slt.u32 s9, $0xF7A;
	s5 =	simm.s32 @!p2 $0x0  }
0x1d: {  	s5 =	simm.s32 @p1 $0x1;
	p0 =	seq.s32 s7, s2  }
0x1e: {  	s7 =	smul.u32 @!p0 $0xF7A, s2;
	p2 =	seq.s32 @!p0 s5, $0x0  }
0x1f: {  	s9 =	smul.u32 $0xF7A, s1;
	s8 =	simm.s32 @!p0 $0x1BF5;
	p2 =	por !p2, p0  }
0x20: {  	[sflag:s8] =	ssyncset.s32 @!p0 $0xFFFFF086;
	s6 =	sadd.s32 @!p0 s3, s7;
	s7 =	simm.s32 @!p0 $0x108  }
0x21: {  	s3 =	sadd.s32 s3, s9;
	s6 =	sadd.s32 @!p0 $0x88, s6;
	s7 =	simm.s32 @p2 $0x1082  }
0x22: {  	[simem:s7], [sflag:s8] =	dma.local @!p0 [hbm:s6], $0xF7A  }
0x23: {  	s9 =	sor.u32 $0xD0000000, s2;
	s6 =	simm.s32 $0x108;
	_ =	swait.ge @!p0 [sflag:s8], $0x0  }
0x24: {  	s3 =	sadd.s32 $0x88, s3;
	s6 =	simm.s32 @!p1 $0x1082;
	[sflag:s4] =	ssyncset.s32 $0xFFFFF086  }
0x25: {  	[simem:s6], [sflag:s4] =	dma.local [hbm:s3], $0xF7A  }
0x26: {  	[smem:$0x3F9D] =	sst s1;
	(tag) =	ssettag s2;
	_ =	strace s9  }
0x27: {  	s1 =	sld [smem:$0x3FAD]  }
0x28: {  	s2 =	sld [smem:$0x3FAE]  }
0x29: {  	s4 =	sld [smem:$0x3FB0]  }
0x2a: {  	p0 =	seq.s32 s5, $0x0;
	s5 =	sld [smem:$0x3FB1]  }
0x2b: {  	s6 =	sld [smem:$0x3FB2]  }
0x2c: {  	s7 =	sld [smem:$0x3FB3]  }
0x2d: {  	s3 =	simm.s32 $0x108;
	s8 =	sld [smem:$0x3FB4]  }
0x2e: {  	s3 =	simm.s32 @!p0 $0x1082;
	s9 =	sld [smem:$0x3FB5]  }
0x2f: {  	lr =	sadd.s32 s0, s3;
	s0 =	sld [smem:$0x3FAC]  }
0x30: {  	s3 =	sld [smem:$0x3FAF]  }
0x31: {  	[smem:$0x3FB8] =	sst s10  }
0x32: {  	s10 =	sld [smem:$0x3FB6];
	_ =	sdelay $0x3  }
0x33: {  	p0 =	seq.s32 s10, $0x1;
	s10 =	sld [smem:$0x3FB8];
	_ =	sdelay $0x3  }
0x34: {  	[smem:$0x3FB8] =	sst s10  }
0x35: {  	s10 =	sld [smem:$0x3FB7];
	_ =	sdelay $0x3  }
0x36: {  	p1 =	seq.s32 s10, $0x1;
	s10 =	sld [smem:$0x3FB8];
	_ =	sdelay $0x3  }
0x37: {  	[smem:$0x3FB8] =	sst s10  }
0x38: {  	s10 =	sld [smem:$0x3FB9]  }
0x39: {  	_ = 	snop;
	(pc) =	sbr.ind lr, $3  }
0x3a: {  	_ = 	snop  }
0x3b: {  	_ = 	snop  }
0x3c: {  	p2 =	seq.s32 s10, $0x1;
	s10 =	sld [smem:$0x3FB8]  }
0x3d: {  	_ =	shalt  }
0x3e: {  	_ =	shalt  }
0x3f: {  	_ =	shalt  }
0x40: {  	_ =	shalt  }
0x41: {  	_ =	shalt  }
0x42: {  	_ =	shalt  }
0x43: {  	_ =	shalt  }
0x44: {  	_ =	shalt  }
0x45: {  	_ =	shalt  }
0x46: {  	_ =	shalt  }
0x47: {  	_ =	shalt  }
0x48: {  	_ =	shalt  }
0x49: {  	_ =	shalt  }
0x4a: {  	_ =	shalt  }
0x4b: {  	_ =	shalt  }
0x4c: {  	_ =	shalt  }
0x4d: {  	_ =	shalt  }
0x4e: {  	_ =	shalt  }
0x4f: {  	_ =	shalt  }
0x50: {  	_ =	shalt  }
0x51: {  	_ =	shalt  }
0x52: {  	_ =	shalt  }
0x53: {  	_ =	shalt  }
0x54: {  	_ =	shalt  }
0x55: {  	_ =	shalt  }
0x56: {  	_ =	shalt  }
0x57: {  	_ =	shalt  }
0x58: {  	_ =	shalt  }
0x59: {  	_ =	shalt  }
0x5a: {  	_ =	shalt  }
0x5b: {  	_ =	shalt  }
0x5c: {  	_ =	shalt  }
0x5d: {  	_ =	shalt  }
0x5e: {  	_ =	shalt  }
0x5f: {  	_ =	shalt  }
0x60: {  	_ =	shalt  }
0x61: {  	_ =	shalt  }
0x62: {  	_ =	shalt  }
0x63: {  	_ =	shalt  }
0x64: {  	_ =	shalt  }
0x65: {  	_ =	shalt  }
0x66: {  	_ =	shalt  }
0x67: {  	_ =	shalt  }
0x68: {  	_ =	shalt  }
0x69: {  	_ =	shalt  }
0x6a: {  	_ =	shalt  }
0x6b: {  	_ =	shalt  }
0x6c: {  	_ =	shalt  }
0x6d: {  	_ =	shalt  }
0x6e: {  	_ =	shalt  }
0x6f: {  	_ =	shalt  }
0x70: {  	_ =	shalt  }
0x71: {  	_ =	shalt  }
0x72: {  	_ =	shalt  }
0x73: {  	_ =	shalt  }
0x74: {  	_ =	shalt  }
0x75: {  	_ =	shalt  }
0x76: {  	_ =	shalt  }
0x77: {  	_ =	shalt  }
0x78: {  	_ =	shalt  }
0x79: {  	_ =	shalt  }
0x7a: {  	_ =	shalt  }
0x7b: {  	_ =	shalt  }
0x7c: {  	_ =	shalt  }
0x7d: {  	_ =	shalt  }
0x7e: {  	_ =	shalt  }
0x7f: {  	_ =	shalt  }
0x80: {  	_ =	shalt  }
0x81: {  	_ =	shalt  }
0x82: {  	_ =	shalt  }
0x83: {  	_ =	shalt  }
0x84: {  	_ =	shalt  }
0x85: {  	_ =	shalt  }
0x86: {  	_ =	shalt  }
0x87: {  	_ =	shalt  }
.Lfunc_end0:
.L_simem_size_0:
called_computation_lowered:
.L_overlay_start_0:
0x88: {  	s2 =	sld [smem:$0x3FD9]  }
0x89: {  	s3 =	sld [smem:$0x3FFE];
	_ =	sdelay $0x1  }
0x8a: {  	s1 =	srdreg.scid  }
0x8b: {  	s0 =	sand.u32 $0x1, s1  }
0x8c: {  	s16 =	sshll.u32 s0, $0xA;
	s2 =	sadd.s32 s3, s2  }
0x8d: {  	s2 =	sadd.s32 s2, s16  }
0x8e: {  	[smem:$0x3FC4] =	sst s2  }
0x8f: {  	_ = 	snop  }
0x90: {  	(tm) =	ssettm $0x1  }
0x91: {  	s17 =	sld [smem:$0x3FFB];
	_ =	sdelay $0x3  }
0x92: {  	_ =	strace s17  }
0x93: {  	s2 =	sld [smem:$0x3FFC];
	_ =	sdelay $0x3  }
0x94: {  	_ =	strace s2  }
0x95: {  	s2 =	sld [smem:$0x3FFD];
	_ =	sdelay $0x3  }
0x96: {  	_ =	strace s2  }
0x97: {  	_ =	strace $0x8FFFFFFF  }
0x98: {  	s18 =	sld [smem:$0x3FDB];
	_ =	sdelay $0x1  }
0x99: {  	s19 =	simm.s32 $_scs_section_size  }
0x9a: {  	s4 =	simm.s32 $_size__tile_overlayer_lowered;
	s5 =	simm.s32 $_tile_overlayer_lowered  }
0x9b: {  	s22 =	simm.s32 $0x1BFF;
	s21 =	sshll.u32 s5, $0x1;
	s2 =	sadd.s32 s19, s18  }
0x9c: {  	s6 =	simm.s32 $0x0;
	s20 =	sshll.u32 s4, $0x1;
	s4 =	sadd.s32 s21, s2  }
0x9d: {  	[timem:s6], [sflag:s22] =	dma.local [hbm:s4], s20  }
0x9e: {  	_ =	swait.ge [sflag:s22], s20  }
0x9f: {  	s3 =	ssub.s32 $0x0, s20;
	[sflag:s22] =	ssyncset.done $0x0  }
0xa0: {  	[sflag:s22] =	ssyncadd.s32 s3;
	_ =	sdelay $0x1  }
0xa1: {  	s23 =	simm.s32 $0x1B8B  }
0xa2: {  	_ =	swait.ge [sflag:s23], $0x1  }
0xa3: {  	[sflag:s23] =	ssyncset.done $0x0  }
0xa4: {  	s25 =	simm.s32 $0x1B8E;
	s24 =	sld [smem:$0x3FFE];
	[sflag:s23] =	ssyncadd.s32 $0xFFFFFFFF  }
0xa5: {  	s26 =	simm.s32 $execute0_lowered;
	[smem:$0x3FD2] =	sst s25  }
0xa6: {  	s4 =	sshll.u32 s26, $0x1;
	_ =	strace $0x80000046;
	[dreg:$0x1] =	wrdreg $0xFFFFFFFF  }
0xa7: {  	s28 =	simm.s32 $_size_execute0_lowered;
	s2 =	sadd.s32 s2, s4;
	[dreg:$0x0] =	wrdreg $0x0  }
0xa8: {  	s4 =	sshll.u32 s28, $0x1;
	[dreg:$0x2] =	wrdreg s2  }
0xa9: {  	[dreg:$0x3] =	wrdreg s4  }
0xaa: {  	[dreg:$0x4] =	wrdreg $0xC0  }
0xab: {  	_ =	task [dreg:s6], $0x5FFFF  }
0xac: {  	[dreg:$0x1] =	wrdreg $0xFFFFFFFF  }
0xad: {  	[dreg:$0x0] =	wrdreg $0x60  }
0xae: {  	[dreg:$0x2] =	wrdreg s24  }
0xaf: {  	[dreg:$0x3] =	wrdreg $0x9  }
0xb0: {  	_ =	task.clear_ibuf [dreg:s6], $0x4FFFF;
	_ =	strace $0x90000046  }
0xb1: {  	s29 =	simm.s32 $0x9;
	_ =	strace $0x80000048  }
0xb2: {  	_ =	swait.ge [sflag:s29], $0x1  }
0xb3: {  	[sflag:s29] =	ssyncadd.s32 $0xFFFFFFFF  }
0xb4: {  	_ =	strace $0x90000048  }
0xb5: {  	_ =	sfence  }
0xb6: {  	s30 =	sld [smem:$0x0];
	_ =	sdelay $0x2  }
0xb7: {  	s31 =	sshll.u32 s1, $0xD;
	s1 =	sshrl.u32 s1, $0x2  }
0xb8: {  	s3 =	sand.u32 $0x4000, s31;
	s1 =	sadd.s32 s1, s30  }
0xb9: {  	s0 =	sor.u32 s3, s0;
	s1 =	sshll.u32 s1, $0x11  }
0xba: {  	s0 =	sor.u32 s1, s0  }
0xbb: {  	s0 =	sadd.s32 $0x8F2B, s0  }
0xbc: {  	[sflag:s0] =	ssyncadd.remote.s32 $0x1  }
0xbd: {  	_ =	sfence.sel $0xFFFF  }
0xbe: {  	[dreg:$0x0] =	wrdreg $0xFFFFFFFF;
	(pc) =	sbr.abs _section_cstart, $3  }
0xbf: {  	[dreg:$0x1] =	wrdreg $0xFFFFFFFF  }
0xc0: {  	_ =	task.clear_ibuf [dreg:s6], $0x2FFFF;
	_ =	strace $0x9FFFFFFF  }
0xc1: {  	(tm) =	ssettm $0x7FFFFFFF  }
tec
execute0_lowered:
.L_overlay_start_1:
0x0: {  	(tag) =	ssettag $0x1  }
0x1: {  	s1 =	srdreg.scid;
	s0 =	stileid.u32  }
0x2: {  	s6 =	sand.u32 $0x1, s1;
	s31 =	sshll.u32 s0, $0x1  }
0x3: {  	s7 =	sor.u32 s6, s31  }
0x4: {  	s2 =	rddreg [dreg:$0x0];
	s3 =	simm.s32 $0x0;
	s4 =	smul.u32 $0x14, s7  }
0x5: {  	[smem:$0x7FF] =	sst s3  }
0x6: {  	s1 =	rddreg [dreg:$0x1];
	_ =	strace $0x80000047;
	s4 =	sadd.s32 s4, s2  }
0x7: {  	s9 =	ssub.s32 $0x2, s6;
	s5 =	sadd.s32 $0x2800, s4;
	s4 =	simm.s32 $0x2  }
0x8: {  	[tilespmem:s3], [sflag:$0x2] =	stream.linear.gather [hbm4b:s5+s3], $0xA0, $0x38;
	[tilespmem:$0xAA0] =	vst v63  }
0x9: {  	s6 =	simm.s32 $0xA0;
	s10 =	sshrl.u32 s9, $0x1;
	_ =	swait.ge [sflag:s4], $0xA0  }
0xa: {  	s8 =	smul.u32 $0x140, s7;
	s9 =	ssub.s32 s9, s10;
	[sflag:s4] =	ssyncset.done $0x0  }
0xb: {  	s7 =	simm.s32 $0x1;
	s9 =	smax.u32 s9, $0x1;
	[sflag:s4] =	ssyncadd.s32 $0xFFFFFF60  }
0xc: {  	[tilespmem:s6], [sflag:$0x1] =	stream.indirect.gather [hbm4b:s2+s6], $0x10, s3, s6, $0xb8;
	[tilespmem:$0xAA0] =	vst v63  }
0xd: {  	p0 =	sne.s32 s9, $0x1;
	_ =	swait.ge [sflag:s7], $0xA00  }
.Ltmp0:
0xe: {  	s8 =	sadd.s32 s8, s2;
	[sflag:s7] =	ssyncset.done $0x0;
	(pc) =	sbr.rel @!p0 .LBB2_2-.Ltmp0, $4  }
0xf: {  	s8 =	sadd.s32 $0x2C00, s8;
	[sflag:s7] =	ssyncadd.s32 $0xFFFFF600  }
0x10: {  	[hbm4b:s8+s3] =	stream.linear.scatter [tilespmem:s6], [sflag:$0x2], $0xA00, $0x38;
	[tilespmem:$0xAA0] =	vst v63  }
0x11: {  	_ =	swait.ge [sflag:s4], $0xA00  }
0x12: {  	s9 =	sadd.s32 $0xFFFFFFFF, s9;
	[sflag:s4] =	ssyncset.done $0x0  }
.LBB2_1:
0x13: {  	p0 =	sne.s32 s9, $0x1;
	s9 =	sadd.s32 $0xFFFFFFFF, s9;
	[sflag:s4] =	ssyncadd.s32 $0xFFFFF600  }
0x14: {  	[tilespmem:s3], [sflag:$0x2] =	stream.linear.gather [hbm4b:s5+s3], $0xA0, $0x38;
	[tilespmem:$0xAA0] =	vst v63  }
0x15: {  	_ =	swait.ge [sflag:s4], $0xA0  }
0x16: {  	[sflag:s4] =	ssyncset.done $0x0  }
0x17: {  	[sflag:s4] =	ssyncadd.s32 $0xFFFFFF60  }
0x18: {  	[tilespmem:s6], [sflag:$0x1] =	stream.indirect.gather [hbm4b:s2+s6], $0x10, s3, s6, $0xb8;
	[tilespmem:$0xAA0] =	vst v63  }
0x19: {  	_ =	swait.ge [sflag:s7], $0xA00  }
.Ltmp1:
0x1a: {  	[sflag:s7] =	ssyncset.done $0x0;
	(pc) =	sbr.rel @p0 .LBB2_1-.Ltmp1, $4  }
0x1b: {  	[sflag:s7] =	ssyncadd.s32 $0xFFFFF600  }
0x1c: {  	[hbm4b:s8+s3] =	stream.linear.scatter [tilespmem:s6], [sflag:$0x2], $0xA00, $0x38;
	[tilespmem:$0xAA0] =	vst v63  }
0x1d: {  	_ =	swait.ge [sflag:s4], $0xA00  }
0x1e: {  	[sflag:s4] =	ssyncset.done $0x0  }
.LBB2_2:
0x1f: {  	[sflag:s4] =	ssyncadd.s32 $0xFFFFF600  }
0x20: {  	_ =	sfence.sel $0x180000  }
0x21: {  	[bflag:$0x0] =	sbarrier.arrive $0xFFFF  }
0x22: {  	p0 =	sne.s32 s0, $0x0;
	_ =	strace $0x90000047  }
0x23: {  	s0 =	sadd.s32 @!p0 $0x100000, s1;
	[bflag:$0x2] =	sbarrier.arrive $0xFFFF  }
0x24: {  	[sflag:s0] =	ssyncadd.tile.s32 @!p0 $0x1;
	_ =	shalt  }
.Lfunc_end2:
_tile_overlayer_lowered:
.L_overlay_start_2:
0x25: {  	(tag) =	ssettag $0x2  }
0x26: {  	s0 =	rddreg [dreg:$0x0];
	s2 =	stileid.u32  }
0x27: {  	s1 =	rddreg [dreg:$0x1];
	p0 =	sne.s32 s2, $0x0  }
0x28: {  	s3 =	rddreg [dreg:$0x2];
	[bflag:$0x3] =	sbarrier.arrive $0xFFFF;
	s2 =	simm.s32 @!p0 $0x1C02  }
0x29: {  	[timem:s3], [sflag:s2] =	dma.local @!p0 [hbm:s0], s1  }
0x2a: {  	s0 =	simm.s32 @!p0 $0x2  }
0x2b: {  	_ =	swait.ge @!p0 [sflag:s0], s1  }
0x2c: {  	s1 =	ssub.s32 @!p0 $0x0, s1;
	[sflag:s0] =	ssyncset.done @!p0 $0x0  }
0x2d: {  	[sflag:s0] =	ssyncadd.s32 @!p0 s1  }
0x2e: {  	[bflag:$0x3] =	sbarrier.arrive $0xFFFF  }
0x2f: {  	_ =	shalt  }

// kernel: kernel.8.cloned.1.call-start
scs
__scs_entry_jumppad:
0x0: {  	(pc) =	sbr.rel $0x88, $3  }
0x1: {  	(tag) =	ssettag $0x0;
	lr =	simm.s32 $0x1  }
0x2: {  	[smem:$0x3F9D] =	sst lr;
	_ =	strace $0xD0000000  }
0x3: {  	_ = 	snop  }
0x4: {  	_ = 	snop  }
0x5: {  	_ = 	snop  }
0x6: {  	_ = 	snop  }
0x7: {  	_ = 	snop  }
__scs_overlays_trampoline_lowered:
0x8: {  	[smem:$0x3FAC] =	sst s0  }
0x9: {  	[smem:$0x3FAD] =	sst s1  }
0xa: {  	[smem:$0x3FAE] =	sst s2  }
0xb: {  	[smem:$0x3FAF] =	sst s3  }
0xc: {  	[smem:$0x3FB0] =	sst s4  }
0xd: {  	[smem:$0x3FB1] =	sst s5  }
0xe: {  	[smem:$0x3FB2] =	sst s6  }
0xf: {  	[smem:$0x3FB3] =	sst s7  }
0x10: {  	[smem:$0x3FB4] =	sst s8  }
0x11: {  	[smem:$0x3FB5] =	sst s9;
	s0 =	simm.s32 @!p0 $0x0  }
0x12: {  	s1 =	sld [smem:$0x3F9B];
	s0 =	simm.s32 @p0 $0x1  }
0x13: {  	[smem:$0x3FB6] =	sst s0;
	s0 =	simm.s32 @!p1 $0x0  }
0x14: {  	s2 =	sld [smem:$0x3F9A];
	s0 =	simm.s32 @p1 $0x1  }
0x15: {  	[smem:$0x3FB7] =	sst s0;
	s0 =	simm.s32 @!p2 $0x0  }
0x16: {  	s3 =	sld [smem:$0x3FDB];
	s0 =	simm.s32 @p2 $0x1  }
0x17: {  	s4 =	simm.s32 $0x1BF5;
	[smem:$0x3FB9] =	sst s0  }
0x18: {  	s0 =	sld [smem:$0x3F9C];
	_ =	swait.ge [sflag:s4], $0x0  }
0x19: {  	s7 =	sld [smem:$0x3F9D]  }
0x1a: {  	s8 =	sadd.s32 $0xFFFFE003, lr  }
0x1b: {  	s9 =	sadd.s32 $0xFFFFFEF7, lr;
	s5 =	simm.s32 $0xFFFFFFFF;
	p2 =	slt.u32 s8, $0xFFFFF086  }
0x1c: {  	p1 =	slt.u32 s9, $0xF7A;
	s5 =	simm.s32 @!p2 $0x0  }
0x1d: {  	s5 =	simm.s32 @p1 $0x1;
	p0 =	seq.s32 s7, s2  }
0x1e: {  	s7 =	smul.u32 @!p0 $0xF7A, s2;
	p2 =	seq.s32 @!p0 s5, $0x0  }
0x1f: {  	s9 =	smul.u32 $0xF7A, s1;
	s8 =	simm.s32 @!p0 $0x1BF5;
	p2 =	por !p2, p0  }
0x20: {  	[sflag:s8] =	ssyncset.s32 @!p0 $0xFFFFF086;
	s6 =	sadd.s32 @!p0 s3, s7;
	s7 =	simm.s32 @!p0 $0x108  }
0x21: {  	s3 =	sadd.s32 s3, s9;
	s6 =	sadd.s32 @!p0 $0x88, s6;
	s7 =	simm.s32 @p2 $0x1082  }
0x22: {  	[simem:s7], [sflag:s8] =	dma.local @!p0 [hbm:s6], $0xF7A  }
0x23: {  	s9 =	sor.u32 $0xD0000000, s2;
	s6 =	simm.s32 $0x108;
	_ =	swait.ge @!p0 [sflag:s8], $0x0  }
0x24: {  	s3 =	sadd.s32 $0x88, s3;
	s6 =	simm.s32 @!p1 $0x1082;
	[sflag:s4] =	ssyncset.s32 $0xFFFFF086  }
0x25: {  	[simem:s6], [sflag:s4] =	dma.local [hbm:s3], $0xF7A  }
0x26: {  	[smem:$0x3F9D] =	sst s1;
	(tag) =	ssettag s2;
	_ =	strace s9  }
0x27: {  	s1 =	sld [smem:$0x3FAD]  }
0x28: {  	s2 =	sld [smem:$0x3FAE]  }
0x29: {  	s4 =	sld [smem:$0x3FB0]  }
0x2a: {  	p0 =	seq.s32 s5, $0x0;
	s5 =	sld [smem:$0x3FB1]  }
0x2b: {  	s6 =	sld [smem:$0x3FB2]  }
0x2c: {  	s7 =	sld [smem:$0x3FB3]  }
0x2d: {  	s3 =	simm.s32 $0x108;
	s8 =	sld [smem:$0x3FB4]  }
0x2e: {  	s3 =	simm.s32 @!p0 $0x1082;
	s9 =	sld [smem:$0x3FB5]  }
0x2f: {  	lr =	sadd.s32 s0, s3;
	s0 =	sld [smem:$0x3FAC]  }
0x30: {  	s3 =	sld [smem:$0x3FAF]  }
0x31: {  	[smem:$0x3FB8] =	sst s10  }
0x32: {  	s10 =	sld [smem:$0x3FB6];
	_ =	sdelay $0x3  }
0x33: {  	p0 =	seq.s32 s10, $0x1;
	s10 =	sld [smem:$0x3FB8];
	_ =	sdelay $0x3  }
0x34: {  	[smem:$0x3FB8] =	sst s10  }
0x35: {  	s10 =	sld [smem:$0x3FB7];
	_ =	sdelay $0x3  }
0x36: {  	p1 =	seq.s32 s10, $0x1;
	s10 =	sld [smem:$0x3FB8];
	_ =	sdelay $0x3  }
0x37: {  	[smem:$0x3FB8] =	sst s10  }
0x38: {  	s10 =	sld [smem:$0x3FB9]  }
0x39: {  	_ = 	snop;
	(pc) =	sbr.ind lr, $3  }
0x3a: {  	_ = 	snop  }
0x3b: {  	_ = 	snop  }
0x3c: {  	p2 =	seq.s32 s10, $0x1;
	s10 =	sld [smem:$0x3FB8]  }
0x3d: {  	_ =	shalt  }
0x3e: {  	_ =	shalt  }
0x3f: {  	_ =	shalt  }
0x40: {  	_ =	shalt  }
0x41: {  	_ =	shalt  }
0x42: {  	_ =	shalt  }
0x43: {  	_ =	shalt  }
0x44: {  	_ =	shalt  }
0x45: {  	_ =	shalt  }
0x46: {  	_ =	shalt  }
0x47: {  	_ =	shalt  }
0x48: {  	_ =	shalt  }
0x49: {  	_ =	shalt  }
0x4a: {  	_ =	shalt  }
0x4b: {  	_ =	shalt  }
0x4c: {  	_ =	shalt  }
0x4d: {  	_ =	shalt  }
0x4e: {  	_ =	shalt  }
0x4f: {  	_ =	shalt  }
0x50: {  	_ =	shalt  }
0x51: {  	_ =	shalt  }
0x52: {  	_ =	shalt  }
0x53: {  	_ =	shalt  }
0x54: {  	_ =	shalt  }
0x55: {  	_ =	shalt  }
0x56: {  	_ =	shalt  }
0x57: {  	_ =	shalt  }
0x58: {  	_ =	shalt  }
0x59: {  	_ =	shalt  }
0x5a: {  	_ =	shalt  }
0x5b: {  	_ =	shalt  }
0x5c: {  	_ =	shalt  }
0x5d: {  	_ =	shalt  }
0x5e: {  	_ =	shalt  }
0x5f: {  	_ =	shalt  }
0x60: {  	_ =	shalt  }
0x61: {  	_ =	shalt  }
0x62: {  	_ =	shalt  }
0x63: {  	_ =	shalt  }
0x64: {  	_ =	shalt  }
0x65: {  	_ =	shalt  }
0x66: {  	_ =	shalt  }
0x67: {  	_ =	shalt  }
0x68: {  	_ =	shalt  }
0x69: {  	_ =	shalt  }
0x6a: {  	_ =	shalt  }
0x6b: {  	_ =	shalt  }
0x6c: {  	_ =	shalt  }
0x6d: {  	_ =	shalt  }
0x6e: {  	_ =	shalt  }
0x6f: {  	_ =	shalt  }
0x70: {  	_ =	shalt  }
0x71: {  	_ =	shalt  }
0x72: {  	_ =	shalt  }
0x73: {  	_ =	shalt  }
0x74: {  	_ =	shalt  }
0x75: {  	_ =	shalt  }
0x76: {  	_ =	shalt  }
0x77: {  	_ =	shalt  }
0x78: {  	_ =	shalt  }
0x79: {  	_ =	shalt  }
0x7a: {  	_ =	shalt  }
0x7b: {  	_ =	shalt  }
0x7c: {  	_ =	shalt  }
0x7d: {  	_ =	shalt  }
0x7e: {  	_ =	shalt  }
0x7f: {  	_ =	shalt  }
0x80: {  	_ =	shalt  }
0x81: {  	_ =	shalt  }
0x82: {  	_ =	shalt  }
0x83: {  	_ =	shalt  }
0x84: {  	_ =	shalt  }
0x85: {  	_ =	shalt  }
0x86: {  	_ =	shalt  }
0x87: {  	_ =	shalt  }
.Lfunc_end0:
.L_simem_size_0:
called_computation.1_lowered:
.L_overlay_start_0:
0x88: {  	s2 =	sld [smem:$0x3FD9]  }
0x89: {  	s3 =	sld [smem:$0x3FFE];
	_ =	sdelay $0x1  }
0x8a: {  	s1 =	srdreg.scid  }
0x8b: {  	s0 =	sand.u32 $0x1, s1  }
0x8c: {  	s16 =	sshll.u32 s0, $0xA;
	s2 =	sadd.s32 s3, s2  }
0x8d: {  	s2 =	sadd.s32 s2, s16  }
0x8e: {  	[smem:$0x3FC4] =	sst s2  }
0x8f: {  	_ = 	snop  }
0x90: {  	(tm) =	ssettm $0x1  }
0x91: {  	s17 =	sld [smem:$0x3FFB];
	_ =	sdelay $0x3  }
0x92: {  	_ =	strace s17  }
0x93: {  	s2 =	sld [smem:$0x3FFC];
	_ =	sdelay $0x3  }
0x94: {  	_ =	strace s2  }
0x95: {  	s2 =	sld [smem:$0x3FFD];
	_ =	sdelay $0x3  }
0x96: {  	_ =	strace s2  }
0x97: {  	_ =	strace $0x8FFFFFFF  }
0x98: {  	s18 =	sld [smem:$0x3FDB];
	_ =	sdelay $0x1  }
0x99: {  	s19 =	simm.s32 $_scs_section_size  }
0x9a: {  	s4 =	simm.s32 $_size__tile_overlayer_lowered;
	s5 =	simm.s32 $_tile_overlayer_lowered  }
0x9b: {  	s22 =	simm.s32 $0x1BFF;
	s21 =	sshll.u32 s5, $0x1;
	s2 =	sadd.s32 s19, s18  }
0x9c: {  	s6 =	simm.s32 $0x0;
	s20 =	sshll.u32 s4, $0x1;
	s4 =	sadd.s32 s21, s2  }
0x9d: {  	[timem:s6], [sflag:s22] =	dma.local [hbm:s4], s20  }
0x9e: {  	_ =	swait.ge [sflag:s22], s20  }
0x9f: {  	s3 =	ssub.s32 $0x0, s20;
	[sflag:s22] =	ssyncset.done $0x0  }
0xa0: {  	[sflag:s22] =	ssyncadd.s32 s3;
	_ =	sdelay $0x1  }
0xa1: {  	s23 =	simm.s32 $0x1B8B  }
0xa2: {  	_ =	swait.ge [sflag:s23], $0x1  }
0xa3: {  	[sflag:s23] =	ssyncset.done $0x0  }
0xa4: {  	s25 =	simm.s32 $0x1B8E;
	s24 =	sld [smem:$0x3FFE];
	[sflag:s23] =	ssyncadd.s32 $0xFFFFFFFF  }
0xa5: {  	s26 =	simm.s32 $execute0_lowered;
	[smem:$0x3FD2] =	sst s25  }
0xa6: {  	s4 =	sshll.u32 s26, $0x1;
	_ =	strace $0x80000049;
	[dreg:$0x1] =	wrdreg $0xFFFFFFFF  }
0xa7: {  	s28 =	simm.s32 $_size_execute0_lowered;
	s2 =	sadd.s32 s2, s4;
	[dreg:$0x0] =	wrdreg $0x0  }
0xa8: {  	s4 =	sshll.u32 s28, $0x1;
	[dreg:$0x2] =	wrdreg s2  }
0xa9: {  	[dreg:$0x3] =	wrdreg s4  }
0xaa: {  	[dreg:$0x4] =	wrdreg $0xC0  }
0xab: {  	_ =	task [dreg:s6], $0x5FFFF  }
0xac: {  	[dreg:$0x1] =	wrdreg $0xFFFFFFFF  }
0xad: {  	[dreg:$0x0] =	wrdreg $0x60  }
0xae: {  	[dreg:$0x2] =	wrdreg s24  }
0xaf: {  	[dreg:$0x3] =	wrdreg $0x9  }
0xb0: {  	_ =	task.clear_ibuf [dreg:s6], $0x4FFFF;
	_ =	strace $0x90000049  }
0xb1: {  	s29 =	simm.s32 $0x9;
	_ =	strace $0x8000004B  }
0xb2: {  	_ =	swait.ge [sflag:s29], $0x1  }
0xb3: {  	[sflag:s29] =	ssyncadd.s32 $0xFFFFFFFF  }
0xb4: {  	_ =	strace $0x9000004B  }
0xb5: {  	_ =	sfence  }
0xb6: {  	s30 =	sld [smem:$0x0];
	_ =	sdelay $0x2  }
0xb7: {  	s31 =	sshll.u32 s1, $0xD;
	s1 =	sshrl.u32 s1, $0x2  }
0xb8: {  	s3 =	sand.u32 $0x4000, s31;
	s1 =	sadd.s32 s1, s30  }
0xb9: {  	s0 =	sor.u32 s3, s0;
	s1 =	sshll.u32 s1, $0x11  }
0xba: {  	s0 =	sor.u32 s1, s0  }
0xbb: {  	s0 =	sadd.s32 $0x8F2B, s0  }
0xbc: {  	[sflag:s0] =	ssyncadd.remote.s32 $0x1  }
0xbd: {  	_ =	sfence.sel $0xFFFF  }
0xbe: {  	[dreg:$0x0] =	wrdreg $0xFFFFFFFF;
	(pc) =	sbr.abs _section_cstart, $3  }
0xbf: {  	[dreg:$0x1] =	wrdreg $0xFFFFFFFF  }
0xc0: {  	_ =	task.clear_ibuf [dreg:s6], $0x2FFFF;
	_ =	strace $0x9FFFFFFF  }
0xc1: {  	(tm) =	ssettm $0x7FFFFFFF  }
tec
execute0_lowered:
.L_overlay_start_1:
0x0: {  	(tag) =	ssettag $0x1  }
0x1: {  	s1 =	srdreg.scid;
	s0 =	stileid.u32  }
0x2: {  	s5 =	sand.u32 $0x1, s1;
	s31 =	sshll.u32 s0, $0x1  }
0x3: {  	s6 =	sor.u32 s5, s31  }
0x4: {  	s7 =	rddreg [dreg:$0x0];
	s2 =	simm.s32 $0x0;
	s3 =	smul.u32 $0x14, s6  }
0x5: {  	s4 =	simm.s32 $0x2;
	[smem:$0x7FF] =	sst s2  }
0x6: {  	s1 =	rddreg [dreg:$0x1];
	_ =	strace $0x8000004A;
	s3 =	sadd.s32 s3, s7  }
0x7: {  	s8 =	ssub.s32 $0x2, s5;
	s6 =	smul.u32 $0x140, s6;
	s3 =	sadd.s32 $0x2800, s3  }
0x8: {  	[tilespmem:s2], [sflag:$0x2] =	stream.linear.gather [hbm4b:s3+s2], $0xA0, $0x38;
	[tilespmem:$0xAA0] =	vst v63  }
0x9: {  	s9 =	sshrl.u32 s8, $0x1;
	_ =	swait.ge [sflag:s4], $0xA0  }
0xa: {  	s8 =	ssub.s32 s8, s9;
	s5 =	sadd.s32 s7, s6;
	[sflag:s4] =	ssyncset.done $0x0  }
0xb: {  	s6 =	simm.s32 $0xA0;
	s9 =	smax.u32 s8, $0x1;
	[sflag:s4] =	ssyncadd.s32 $0xFFFFFF60  }
0xc: {  	[tilespmem:s6], [sflag:$0x2] =	stream.linear.gather [hbm4b:s5+s2], $0xA00, $0x38;
	[tilespmem:$0xAA0] =	vst v63  }
0xd: {  	p0 =	sne.s32 s9, $0x1;
	_ =	swait.ge [sflag:s4], $0xA00  }
.Ltmp0:
0xe: {  	[sflag:s4] =	ssyncset.done $0x0;
	(pc) =	sbr.rel @!p0 .LBB2_2-.Ltmp0, $4  }
0xf: {  	s7 =	sadd.s32 $0x2C00, s7;
	s8 =	simm.s32 $0x1;
	[sflag:s4] =	ssyncadd.s32 $0xFFFFF600  }
0x10: {  	[hbm4b:s7+s6] =	stream.indirect.scatter [tilespmem:s6], [sflag:$0x1], $0x10, s2, s6, $0xb8;
	[tilespmem:$0xAA0] =	vst v63  }
0x11: {  	_ =	swait.ge [sflag:s8], $0xA00  }
0x12: {  	s9 =	sadd.s32 $0xFFFFFFFF, s9;
	[sflag:s8] =	ssyncset.done $0x0  }
.LBB2_1:
0x13: {  	p0 =	sne.s32 s9, $0x1;
	s9 =	sadd.s32 $0xFFFFFFFF, s9;
	[sflag:s8] =	ssyncadd.s32 $0xFFFFF600  }
0x14: {  	[tilespmem:s2], [sflag:$0x2] =	stream.linear.gather [hbm4b:s3+s2], $0xA0, $0x38;
	[tilespmem:$0xAA0] =	vst v63  }
0x15: {  	_ =	swait.ge [sflag:s4], $0xA0  }
0x16: {  	[sflag:s4] =	ssyncset.done $0x0  }
0x17: {  	[sflag:s4] =	ssyncadd.s32 $0xFFFFFF60  }
0x18: {  	[tilespmem:s6], [sflag:$0x2] =	stream.linear.gather [hbm4b:s5+s2], $0xA00, $0x38;
	[tilespmem:$0xAA0] =	vst v63  }
0x19: {  	_ =	swait.ge [sflag:s4], $0xA00  }
.Ltmp1:
0x1a: {  	[sflag:s4] =	ssyncset.done $0x0;
	(pc) =	sbr.rel @p0 .LBB2_1-.Ltmp1, $4  }
0x1b: {  	[sflag:s4] =	ssyncadd.s32 $0xFFFFF600  }
0x1c: {  	[hbm4b:s7+s6] =	stream.indirect.scatter [tilespmem:s6], [sflag:$0x1], $0x10, s2, s6, $0xb8;
	[tilespmem:$0xAA0] =	vst v63  }
0x1d: {  	_ =	swait.ge [sflag:s8], $0xA00  }
0x1e: {  	[sflag:s8] =	ssyncset.done $0x0  }
.LBB2_2:
0x1f: {  	[sflag:s8] =	ssyncadd.s32 $0xFFFFF600  }
0x20: {  	_ =	sfence.sel $0x180000  }
0x21: {  	[bflag:$0x0] =	sbarrier.arrive $0xFFFF  }
0x22: {  	p0 =	sne.s32 s0, $0x0;
	_ =	strace $0x9000004A  }
0x23: {  	s0 =	sadd.s32 @!p0 $0x100000, s1;
	[bflag:$0x2] =	sbarrier.arrive $0xFFFF  }
0x24: {  	[sflag:s0] =	ssyncadd.tile.s32 @!p0 $0x1;
	_ =	shalt  }
.Lfunc_end2:
_tile_overlayer_lowered:
.L_overlay_start_2:
0x25: {  	(tag) =	ssettag $0x2  }
0x26: {  	s0 =	rddreg [dreg:$0x0];
	s2 =	stileid.u32  }
0x27: {  	s1 =	rddreg [dreg:$0x1];
	p0 =	sne.s32 s2, $0x0  }
0x28: {  	s3 =	rddreg [dreg:$0x2];
	[bflag:$0x3] =	sbarrier.arrive $0xFFFF;
	s2 =	simm.s32 @!p0 $0x1C02  }
0x29: {  	[timem:s3], [sflag:s2] =	dma.local @!p0 [hbm:s0], s1  }
0x2a: {  	s0 =	simm.s32 @!p0 $0x2  }
0x2b: {  	_ =	swait.ge @!p0 [sflag:s0], s1  }
0x2c: {  	s1 =	ssub.s32 @!p0 $0x0, s1;
	[sflag:s0] =	ssyncset.done @!p0 $0x0  }
0x2d: {  	[sflag:s0] =	ssyncadd.s32 @!p0 s1  }
0x2e: {  	[bflag:$0x3] =	sbarrier.arrive $0xFFFF  }
0x2f: {  	_ =	shalt  }

</sc_bundles>
